<compile_context>
chip_gen: v7x
topology: tpu7x:2x2x1
jax: 0.10.2.dev20260603
libtpu: 0.0.44.dev20260713+nightly
codegen_flags: <defaults>
</compile_context>

<pallas_src>
import functools

import jax
import jax.numpy as jnp
from jax import lax
from jax.experimental import pallas as pl
from jax.experimental.pallas import tpu as pltpu
from jax.experimental.pallas import tpu_sc as plsc

N = 10000
E = 320000
F_IN = 128
F_OUT = 64

NC = 2
NS = 16
NW = NC * NS
EPW = E // NW
CH = 125
NCHUNK = EPW // CH
SPAN = 632
N_PAD = SPAN * NS
DEG_PAD = 10240
DEG_SPAN = DEG_PAD // NS
ZROWS = 80

_MESH = plsc.VectorSubcoreMesh(core_axis_name="c", subcore_axis_name="s")
_SC_PARAMS = pltpu.CompilerParams(
    use_tc_tiling_on_sc=False, needs_layout_passes=False
)


DEG_W = 16


@functools.partial(
    pl.kernel,
    out_type=jax.ShapeDtypeStruct((NC, DEG_PAD), jnp.float32),
    mesh=_MESH,
    compiler_params=_SC_PARAMS,
    scratch_types=[
        pltpu.VMEM((NCHUNK, CH), jnp.int32),
        pltpu.VMEM((CH, DEG_W), jnp.float32),
        pltpu.VMEM((DEG_SPAN, DEG_W), jnp.float32),
        pltpu.VMEM((DEG_SPAN,), jnp.float32),
        pltpu.VMEM_SHARED((DEG_PAD, DEG_W), jnp.float32),
        pltpu.SemaphoreType.DMA,
    ],
)
def _deg_kernel(e4, degp, dst2, ones_v, degv, deg1, deg_sh, dsem):
    cid = lax.axis_index("c")
    sid = lax.axis_index("s")
    wid = cid * NS + sid

    @pl.loop(0, CH)
    def _fill_ones(r):
        ones_v[r, :] = jnp.ones((DEG_W,), jnp.float32)

    @pl.loop(0, DEG_SPAN)
    def _fill_z(r):
        degv[r, :] = jnp.zeros((DEG_W,), jnp.float32)

    pltpu.sync_copy(degv, deg_sh.at[pl.ds(sid * DEG_SPAN, DEG_SPAN)])
    pltpu.sync_copy(e4.at[1, wid], dst2)
    plsc.subcore_barrier()

    @pl.loop(0, NCHUNK)
    def _accum(j):
        pltpu.async_copy(ones_v, deg_sh.at[dst2.at[j]], dsem, add=True)

    @pl.loop(0, NCHUNK)
    def _drain(j):
        pltpu.make_async_copy(ones_v, deg_sh.at[dst2.at[j]], dsem).wait()

    plsc.subcore_barrier()
    pltpu.sync_copy(deg_sh.at[pl.ds(sid * DEG_SPAN, DEG_SPAN)], degv)

    @pl.loop(0, DEG_SPAN // 16)
    def _compact(g):
        rows = g * 16 + lax.iota(jnp.int32, 16)
        cols = jnp.zeros((16,), jnp.int32)
        deg1[pl.ds(g * 16, 16)] = plsc.load_gather(degv, [rows, cols])

    pltpu.sync_copy(deg1, degp.at[cid, pl.ds(sid * DEG_SPAN, DEG_SPAN)])


NBUF = 8
DEPTH = 4


@functools.partial(
    pl.kernel,
    out_type=jax.ShapeDtypeStruct((NC, N_PAD, F_OUT), jnp.float32),
    mesh=_MESH,
    compiler_params=_SC_PARAMS,
    scratch_types=[
        pltpu.VMEM((NCHUNK, CH), jnp.int32),
        pltpu.VMEM((NCHUNK, CH), jnp.int32),
    ]
    + [pltpu.VMEM((CH, F_OUT), jnp.float32)] * NBUF
    + [
        pltpu.VMEM((ZROWS, F_OUT), jnp.float32),
        pltpu.VMEM_SHARED((N_PAD, F_OUT), jnp.float32),
    ]
    + [pltpu.SemaphoreType.DMA] * (2 * NBUF),
)
def _agg_kernel(hp, e4, out, src2, dst2, *rest):
    bufs = rest[:NBUF]
    zbuf = rest[NBUF]
    agg_sh = rest[NBUF + 1]
    gsem = rest[NBUF + 2:NBUF + 2 + NBUF]
    ssem = rest[NBUF + 2 + NBUF:]
    cid = lax.axis_index("c")
    sid = lax.axis_index("s")
    wid = cid * NS + sid

    @pl.loop(0, ZROWS)
    def _zero(r):
        for c in range(F_OUT // 16):
            zbuf[r, pl.ds(c * 16, 16)] = jnp.zeros((16,), jnp.float32)

    r0 = sid * SPAN
    for t in range(SPAN // ZROWS):
        pltpu.sync_copy(zbuf, agg_sh.at[pl.ds(r0 + t * ZROWS, ZROWS)])
    rem = SPAN - (SPAN // ZROWS) * ZROWS
    pltpu.sync_copy(
        zbuf.at[pl.ds(0, rem)],
        agg_sh.at[pl.ds(r0 + SPAN - rem, rem)],
    )
    pltpu.sync_copy(e4.at[0, wid], src2)
    pltpu.sync_copy(e4.at[1, wid], dst2)
    plsc.subcore_barrier()

    def wait_g(k, b):
        pltpu.make_async_copy(hp.at[src2.at[k]], bufs[b], gsem[b]).wait()

    def fire_s(k, b):
        pltpu.async_copy(bufs[b], agg_sh.at[dst2.at[k]], ssem[b], add=True)

    def wait_s(k, b):
        pltpu.make_async_copy(bufs[b], agg_sh.at[dst2.at[k]], ssem[b]).wait()

    for k in range(DEPTH):
        pltpu.async_copy(hp.at[src2.at[k]], bufs[k % NBUF], gsem[k % NBUF])
    for k in range(DEPTH):
        bb = k % NBUF
        wait_g(k, bb)
        fire_s(k, bb)
        b4 = (k + DEPTH) % NBUF
        pltpu.async_copy(hp.at[src2.at[k + DEPTH]], bufs[b4], gsem[b4])

    @pl.loop(DEPTH, NCHUNK - DEPTH, step=NBUF)
    def _edges(j):
        for u in range(NBUF):
            k = j + u
            bb = (DEPTH + u) % NBUF
            b4 = u % NBUF
            wait_g(k, bb)
            fire_s(k, bb)
            wait_s(k - DEPTH, b4)
            pltpu.async_copy(hp.at[src2.at[k + DEPTH]], bufs[b4], gsem[b4])

    for k in range(NCHUNK - DEPTH, NCHUNK):
        bb = k % NBUF
        wait_g(k, bb)
        fire_s(k, bb)
        wait_s(k - DEPTH, (k + DEPTH) % NBUF)
    for k in range(NCHUNK - DEPTH, NCHUNK):
        wait_s(k, k % NBUF)
    plsc.subcore_barrier()
    pltpu.sync_copy(agg_sh.at[pl.ds(r0, SPAN)], out.at[cid, pl.ds(r0, SPAN)])


_RB = 2000


def _mm_body(x_ref, wi_ref, wr_ref, h_ref, root_ref):
    x = x_ref[...]
    h_ref[...] = jnp.dot(x, wi_ref[...], preferred_element_type=jnp.float32)
    root_ref[...] = jnp.dot(x, wr_ref[...], preferred_element_type=jnp.float32)


def _mm(x, wi, wr):
    grid = (N // _RB,)
    return pl.pallas_call(
        _mm_body,
        grid=grid,
        in_specs=[
            pl.BlockSpec((_RB, F_IN), lambda i: (i, 0)),
            pl.BlockSpec((F_IN, F_OUT), lambda i: (0, 0)),
            pl.BlockSpec((F_IN, F_OUT), lambda i: (0, 0)),
        ],
        out_specs=[
            pl.BlockSpec((_RB, F_OUT), lambda i: (i, 0)),
            pl.BlockSpec((_RB, F_OUT), lambda i: (i, 0)),
        ],
        out_shape=[
            jax.ShapeDtypeStruct((N, F_OUT), jnp.float32),
            jax.ShapeDtypeStruct((N, F_OUT), jnp.float32),
        ],
    )(x, wi, wr)


def kernel(x, edge_index, W_init, W_root, bias):
    e4 = edge_index.reshape(2, NW, NCHUNK, CH)
    degp = _deg_kernel(e4)
    h, root = _mm(x, W_init, W_root)
    deg = degp[0, :N] + degp[1, :N]
    dinv = jnp.where(deg > 0, lax.rsqrt(deg), 0.0)[:, None]
    hp = h * dinv
    p = _agg_kernel(hp, e4)
    return jnp.maximum(dinv * (p[0, :N] + p[1, :N]) + root + bias, 0.0)

# --- scband reference (transcript-rebuilt; emitter-appended) ---
"""Pipeline reference for scband-arma1-50371376447890 (READ-ONLY COPY).

The authoritative reference and input builder live on the scoring server;
editing this copy changes nothing except your own understanding.
"""

import jax, jax.numpy as jnp
import numpy as np

N, E, F_IN, F_OUT = 10000, 320000, 128, 64

def setup_inputs(seed: int = 0) -> dict:
    key = jax.random.key(seed)
    k1, k2, k3, k4, k5 = jax.random.split(key, 5)
    x = jax.random.normal(k1, (N, F_IN), dtype=jnp.float32)
    edge_index = jax.random.randint(k2, (2, E), 0, N, dtype=jnp.int32)
    glorot = float(np.sqrt(6.0 / (F_IN + F_OUT)))
    W_init = jax.random.uniform(k3, (F_IN, F_OUT), dtype=jnp.float32, minval=-glorot, maxval=glorot)
    W_root = jax.random.uniform(k4, (F_IN, F_OUT), dtype=jnp.float32, minval=-glorot, maxval=glorot)
    bias = jnp.zeros((F_OUT,), dtype=jnp.float32)
    return {"x": x, "edge_index": edge_index, "W_init": W_init, "W_root": W_root, "bias": bias}

def reference(x, edge_index, W_init, W_root, bias):
    # ARMAConv (num_stacks=1, num_layers=1), eval mode (dropout disabled)
    src = edge_index[0]
    dst = edge_index[1]
    n = x.shape[0]
    # gcn_norm with add_self_loops=False: deg from target (col) index
    ones = jnp.ones((src.shape[0],), dtype=x.dtype)
    deg = jnp.zeros((n,), dtype=x.dtype).at[dst].add(ones)
    deg_inv_sqrt = jnp.where(deg > 0, deg ** -0.5, 0.0)
    norm = deg_inv_sqrt[src] * deg_inv_sqrt[dst]
    # x_{t+1} = act( propagate(A_hat, x @ W_init) + x_root @ W_root + bias )
    h = x @ W_init
    msg = norm[:, None] * h[src]
    agg = jnp.zeros((n, W_init.shape[1]), dtype=x.dtype).at[dst].add(msg)
    root = x @ W_root
    out = jax.nn.relu(agg + root + bias)
    # model-level ReLU in ARMA1.forward
    out = jax.nn.relu(out)
    return out

if __name__ == "__main__":
    import jax
    _d = setup_inputs()
    print(jax.jit(kernel)(*tuple(_d.values())))

</pallas_src>

<mosaic_0001>
#map = affine_map<(d0, d1) -> (0, 0, 0, 0)>
#map1 = affine_map<(d0, d1) -> (0, 0)>
module attributes {stable_mosaic.version = 14 : i64} {
  func.func @_deg_kernel(%arg0: i32, %arg1: i32, %arg2: memref<2x32x80x125xi32, #tpu.memory_space<hbm>>, %arg3: memref<2x10240xf32, #tpu.memory_space<hbm>>, %arg4: memref<80x125xi32, #tpu.memory_space<vmem>>, %arg5: memref<125x16xf32, #tpu.memory_space<vmem>>, %arg6: memref<640x16xf32, #tpu.memory_space<vmem>>, %arg7: memref<640xf32, #tpu.memory_space<vmem>>, %arg8: memref<10240x16xf32, #tpu.memory_space<vmem_shared>>, %arg9: memref<!tpu.dma_semaphore, #tpu.memory_space<semaphore_mem>>) attributes {dimension_semantics = [#tpu.dimension_semantics<core_parallel>, #tpu.dimension_semantics<subcore_parallel>], iteration_bounds = array<i64: 2, 16>, scalar_prefetch = 0 : i64, scratch_operands = 6 : i64, tpu.core_type = #tpu.core_type<sc_vector_subcore>, window_params = [{transform_indices = #map}, {transform_indices = #map1}]} {
    %mul3A = arith.constant 16 : i32
    %mul3A_0 = arith.muli %arg0, %mul3A : i32
    %add3A = arith.addi %mul3A_0, %arg1 : i32
    %scan3A = arith.constant 0 : i32
    %scan3A_1 = arith.constant 125 : i32
    %scan3A_2 = arith.addi %scan3A, %scan3A_1 : i32
    %scan3A_3 = arith.constant 1 : i32
    scf.for %scan3A_32 = %scan3A to %scan3A_2 step %scan3A_3  : i32 {
      %mul3A_33 = arith.constant 1 : i32
      %mul3A_34 = arith.muli %scan3A_32, %mul3A_33 : i32
      %add3A_35 = arith.constant 0 : i32
      %add3A_36 = arith.addi %add3A_35, %mul3A_34 : i32
      %broadcast_in_dim3A = arith.constant 1.000000e+00 : f32
      %broadcast_in_dim3A_37 = vector.broadcast %broadcast_in_dim3A : f32 to vector<16xf32>
      %swap3A = arith.index_cast %add3A_36 : i32 to index
      %swap3A_38 = arith.constant 0 : index
      %swap3A_39 = tpu.vector_load %arg5[%swap3A, %swap3A_38] {strides = array<i32>} : memref<125x16xf32, #tpu.memory_space<vmem>>, vector<16xf32>,
      tpu.vector_store %arg5[%swap3A, %swap3A_38], %broadcast_in_dim3A_37 {strides = array<i32>} : memref<125x16xf32, #tpu.memory_space<vmem>>, vector<16xf32>,
    }
    %scan3A_4 = arith.constant 125 : i32
    %scan3A_5 = arith.constant 0 : i32
    %scan3A_6 = arith.constant 640 : i32
    %scan3A_7 = arith.addi %scan3A_5, %scan3A_6 : i32
    %scan3A_8 = arith.constant 1 : i32
    scf.for %scan3A_32 = %scan3A_5 to %scan3A_7 step %scan3A_8  : i32 {
      %mul3A_33 = arith.constant 1 : i32
      %mul3A_34 = arith.muli %scan3A_32, %mul3A_33 : i32
      %add3A_35 = arith.constant 0 : i32
      %add3A_36 = arith.addi %add3A_35, %mul3A_34 : i32
      %broadcast_in_dim3A = arith.constant 0.000000e+00 : f32
      %broadcast_in_dim3A_37 = vector.broadcast %broadcast_in_dim3A : f32 to vector<16xf32>
      %swap3A = arith.index_cast %add3A_36 : i32 to index
      %swap3A_38 = arith.constant 0 : index
      %swap3A_39 = tpu.vector_load %arg6[%swap3A, %swap3A_38] {strides = array<i32>} : memref<640x16xf32, #tpu.memory_space<vmem>>, vector<16xf32>,
      tpu.vector_store %arg6[%swap3A, %swap3A_38], %broadcast_in_dim3A_37 {strides = array<i32>} : memref<640x16xf32, #tpu.memory_space<vmem>>, vector<16xf32>,
    }
    %scan3A_9 = arith.constant 640 : i32
    %mul3A_10 = arith.constant 640 : i32
    %mul3A_11 = arith.muli %arg1, %mul3A_10 : i32
    "tpu.region"() ({
      %run_scoped3A_32 = tpu.sem_alloc : memref<!tpu.dma_semaphore, #tpu.memory_space<semaphore_mem>>
      %dma_start3A = arith.constant 0 : i32
      %dma_start3A_33 = tpu.memref_slice %arg8[%mul3A_11, %dma_start3A] : memref<10240x16xf32, #tpu.memory_space<vmem_shared>> -> memref<640x16xf32, #tpu.memory_space<vmem_shared>>
      %dma_start3A_34 = arith.constant 0 : i32
      %dma_start3A_35 = tpu.memref_slice %arg8[%mul3A_11, %dma_start3A_34] : memref<10240x16xf32, #tpu.memory_space<vmem_shared>> -> memref<640x16xf32, #tpu.memory_space<vmem_shared>>
      tpu.enqueue_dma source(%arg6 : memref<640x16xf32, #tpu.memory_space<vmem>>) target(%dma_start3A_35 : memref<640x16xf32, #tpu.memory_space<vmem_shared>>) target_semaphore(%run_scoped3A_32 : memref<!tpu.dma_semaphore, #tpu.memory_space<semaphore_mem>>)
      %dma_wait3A = arith.constant 0 : i32
      %dma_wait3A_36 = tpu.memref_slice %arg8[%mul3A_11, %dma_wait3A] : memref<10240x16xf32, #tpu.memory_space<vmem_shared>> -> memref<640x16xf32, #tpu.memory_space<vmem_shared>>
      %dma_wait3A_37 = arith.constant 0 : i32
      %dma_wait3A_38 = tpu.memref_slice %arg8[%mul3A_11, %dma_wait3A_37] : memref<10240x16xf32, #tpu.memory_space<vmem_shared>> -> memref<640x16xf32, #tpu.memory_space<vmem_shared>>
      tpu.wait_dma2 semaphore(%run_scoped3A_32 : memref<!tpu.dma_semaphore, #tpu.memory_space<semaphore_mem>>) src(%arg6 : memref<640x16xf32, #tpu.memory_space<vmem>>) dst(%dma_wait3A_38 : memref<640x16xf32, #tpu.memory_space<vmem_shared>>)
      tpu.yield
    }) : () -> ()
    %run_scoped3A = arith.constant 1 : i32
    "tpu.region"() ({
      %run_scoped3A_32 = tpu.sem_alloc : memref<!tpu.dma_semaphore, #tpu.memory_space<semaphore_mem>>
      %dma_start3A = arith.constant 0 : i32
      %dma_start3A_33 = arith.constant 0 : i32
      %dma_start3A_34 = tpu.memref_slice %arg2[%run_scoped3A, %add3A, %dma_start3A, %dma_start3A_33] : memref<2x32x80x125xi32, #tpu.memory_space<hbm>> -> memref<1x1x80x125xi32, #tpu.memory_space<hbm>>
      %dma_start3A_35 = tpu.memref_squeeze %dma_start3A_34 : memref<1x1x80x125xi32, #tpu.memory_space<hbm>> -> memref<80x125xi32, #tpu.memory_space<hbm>>
      %dma_start3A_36 = arith.constant 0 : i32
      %dma_start3A_37 = arith.constant 0 : i32
      %dma_start3A_38 = tpu.memref_slice %arg2[%run_scoped3A, %add3A, %dma_start3A_36, %dma_start3A_37] : memref<2x32x80x125xi32, #tpu.memory_space<hbm>> -> memref<1x1x80x125xi32, #tpu.memory_space<hbm>>
      %dma_start3A_39 = tpu.memref_squeeze %dma_start3A_38 : memref<1x1x80x125xi32, #tpu.memory_space<hbm>> -> memref<80x125xi32, #tpu.memory_space<hbm>>
      tpu.enqueue_dma source(%dma_start3A_39 : memref<80x125xi32, #tpu.memory_space<hbm>>) target(%arg4 : memref<80x125xi32, #tpu.memory_space<vmem>>) target_semaphore(%run_scoped3A_32 : memref<!tpu.dma_semaphore, #tpu.memory_space<semaphore_mem>>)
      %dma_wait3A = arith.constant 0 : i32
      %dma_wait3A_40 = arith.constant 0 : i32
      %dma_wait3A_41 = tpu.memref_slice %arg2[%run_scoped3A, %add3A, %dma_wait3A, %dma_wait3A_40] : memref<2x32x80x125xi32, #tpu.memory_space<hbm>> -> memref<1x1x80x125xi32, #tpu.memory_space<hbm>>
      %dma_wait3A_42 = tpu.memref_squeeze %dma_wait3A_41 : memref<1x1x80x125xi32, #tpu.memory_space<hbm>> -> memref<80x125xi32, #tpu.memory_space<hbm>>
      %dma_wait3A_43 = arith.constant 0 : i32
      %dma_wait3A_44 = arith.constant 0 : i32
      %dma_wait3A_45 = tpu.memref_slice %arg2[%run_scoped3A, %add3A, %dma_wait3A_43, %dma_wait3A_44] : memref<2x32x80x125xi32, #tpu.memory_space<hbm>> -> memref<1x1x80x125xi32, #tpu.memory_space<hbm>>
      %dma_wait3A_46 = tpu.memref_squeeze %dma_wait3A_45 : memref<1x1x80x125xi32, #tpu.memory_space<hbm>> -> memref<80x125xi32, #tpu.memory_space<hbm>>
      tpu.wait_dma2 semaphore(%run_scoped3A_32 : memref<!tpu.dma_semaphore, #tpu.memory_space<semaphore_mem>>) src(%dma_wait3A_46 : memref<80x125xi32, #tpu.memory_space<hbm>>) dst(%arg4 : memref<80x125xi32, #tpu.memory_space<vmem>>)
      tpu.yield
    }) : () -> ()
    %barrier3A = arith.constant 0 : index
    tpu.barrier barrier_id(%barrier3A)
    %scan3A_12 = arith.constant 0 : i32
    %scan3A_13 = arith.constant 80 : i32
    %scan3A_14 = arith.addi %scan3A_12, %scan3A_13 : i32
    %scan3A_15 = arith.constant 1 : i32
    scf.for %scan3A_32 = %scan3A_12 to %scan3A_14 step %scan3A_15  : i32 {
      %mul3A_33 = arith.constant 1 : i32
      %mul3A_34 = arith.muli %scan3A_32, %mul3A_33 : i32
      %add3A_35 = arith.constant 0 : i32
      %add3A_36 = arith.addi %add3A_35, %mul3A_34 : i32
      %dma_start3A = arith.constant 0 : i32
      %dma_start3A_37 = tpu.memref_slice %arg4[%add3A_36, %dma_start3A] : memref<80x125xi32, #tpu.memory_space<vmem>> -> memref<1x125xi32, #tpu.memory_space<vmem>>
      %dma_start3A_38 = tpu.memref_squeeze %dma_start3A_37 : memref<1x125xi32, #tpu.memory_space<vmem>> -> memref<125xi32, #tpu.memory_space<vmem>>
      %dma_start3A_39 = arith.constant 0 : i32
      %dma_start3A_40 = arith.constant 0 : i32
      %dma_start3A_41 = tpu.memref_slice %arg8[%dma_start3A_39, %dma_start3A_40] : memref<10240x16xf32, #tpu.memory_space<vmem_shared>> -> memref<10240x16xf32, #tpu.memory_space<vmem_shared>>
      tpu.enqueue_indirect_dma source(%arg5 : memref<125x16xf32, #tpu.memory_space<vmem>>) target(%dma_start3A_41 : memref<10240x16xf32, #tpu.memory_space<vmem_shared>>) offsets(%dma_start3A_38 : memref<125xi32, #tpu.memory_space<vmem>>) semaphore(%arg9 : memref<!tpu.dma_semaphore, #tpu.memory_space<semaphore_mem>>) {add = true}
    }
    %scan3A_16 = arith.constant 80 : i32
    %scan3A_17 = arith.constant 0 : i32
    %scan3A_18 = arith.constant 80 : i32
    %scan3A_19 = arith.addi %scan3A_17, %scan3A_18 : i32
    %scan3A_20 = arith.constant 1 : i32
    scf.for %scan3A_32 = %scan3A_17 to %scan3A_19 step %scan3A_20  : i32 {
      %mul3A_33 = arith.constant 1 : i32
      %mul3A_34 = arith.muli %scan3A_32, %mul3A_33 : i32
      %add3A_35 = arith.constant 0 : i32
      %add3A_36 = arith.addi %add3A_35, %mul3A_34 : i32
      %dma_wait3A = arith.constant 0 : i32
      %dma_wait3A_37 = tpu.memref_slice %arg4[%add3A_36, %dma_wait3A] : memref<80x125xi32, #tpu.memory_space<vmem>> -> memref<1x125xi32, #tpu.memory_space<vmem>>
      %dma_wait3A_38 = tpu.memref_squeeze %dma_wait3A_37 : memref<1x125xi32, #tpu.memory_space<vmem>> -> memref<125xi32, #tpu.memory_space<vmem>>
      %dma_wait3A_39 = arith.constant 0 : i32
      %dma_wait3A_40 = arith.constant 0 : i32
      %dma_wait3A_41 = tpu.memref_slice %arg8[%dma_wait3A_39, %dma_wait3A_40] : memref<10240x16xf32, #tpu.memory_space<vmem_shared>> -> memref<10240x16xf32, #tpu.memory_space<vmem_shared>>
      tpu.wait_indirect_dma semaphore(%arg9 : memref<!tpu.dma_semaphore, #tpu.memory_space<semaphore_mem>>) src(%arg5 : memref<125x16xf32, #tpu.memory_space<vmem>>) dst(%dma_wait3A_41 : memref<10240x16xf32, #tpu.memory_space<vmem_shared>>)
    }
    %scan3A_21 = arith.constant 80 : i32
    %barrier3A_22 = arith.constant 0 : index
    tpu.barrier barrier_id(%barrier3A_22)
    %mul3A_23 = arith.constant 640 : i32
    %mul3A_24 = arith.muli %arg1, %mul3A_23 : i32
    "tpu.region"() ({
      %run_scoped3A_32 = tpu.sem_alloc : memref<!tpu.dma_semaphore, #tpu.memory_space<semaphore_mem>>
      %dma_start3A = arith.constant 0 : i32
      %dma_start3A_33 = tpu.memref_slice %arg8[%mul3A_24, %dma_start3A] : memref<10240x16xf32, #tpu.memory_space<vmem_shared>> -> memref<640x16xf32, #tpu.memory_space<vmem_shared>>
      %dma_start3A_34 = arith.constant 0 : i32
      %dma_start3A_35 = tpu.memref_slice %arg8[%mul3A_24, %dma_start3A_34] : memref<10240x16xf32, #tpu.memory_space<vmem_shared>> -> memref<640x16xf32, #tpu.memory_space<vmem_shared>>
      tpu.enqueue_dma source(%dma_start3A_35 : memref<640x16xf32, #tpu.memory_space<vmem_shared>>) target(%arg6 : memref<640x16xf32, #tpu.memory_space<vmem>>) target_semaphore(%run_scoped3A_32 : memref<!tpu.dma_semaphore, #tpu.memory_space<semaphore_mem>>)
      %dma_wait3A = arith.constant 0 : i32
      %dma_wait3A_36 = tpu.memref_slice %arg8[%mul3A_24, %dma_wait3A] : memref<10240x16xf32, #tpu.memory_space<vmem_shared>> -> memref<640x16xf32, #tpu.memory_space<vmem_shared>>
      %dma_wait3A_37 = arith.constant 0 : i32
      %dma_wait3A_38 = tpu.memref_slice %arg8[%mul3A_24, %dma_wait3A_37] : memref<10240x16xf32, #tpu.memory_space<vmem_shared>> -> memref<640x16xf32, #tpu.memory_space<vmem_shared>>
      tpu.wait_dma2 semaphore(%run_scoped3A_32 : memref<!tpu.dma_semaphore, #tpu.memory_space<semaphore_mem>>) src(%dma_wait3A_38 : memref<640x16xf32, #tpu.memory_space<vmem_shared>>) dst(%arg6 : memref<640x16xf32, #tpu.memory_space<vmem>>)
      tpu.yield
    }) : () -> ()
    %scan3A_25 = arith.constant 0 : i32
    %scan3A_26 = arith.constant 40 : i32
    %scan3A_27 = arith.addi %scan3A_25, %scan3A_26 : i32
    %scan3A_28 = arith.constant 1 : i32
    scf.for %scan3A_32 = %scan3A_25 to %scan3A_27 step %scan3A_28  : i32 {
      %mul3A_33 = arith.constant 1 : i32
      %mul3A_34 = arith.muli %scan3A_32, %mul3A_33 : i32
      %add3A_35 = arith.constant 0 : i32
      %add3A_36 = arith.addi %add3A_35, %mul3A_34 : i32
      %mul3A_37 = arith.constant 16 : i32
      %mul3A_38 = arith.muli %add3A_36, %mul3A_37 : i32
      %iota3A = tpu.iota {dimensions = array<i32: 0>} : vector<16xi32>
      %add3A_39 = vector.broadcast %mul3A_38 : i32 to vector<16xi32>
      %add3A_40 = arith.addi %add3A_39, %iota3A : vector<16xi32>
      %broadcast_in_dim3A = arith.constant 0 : i32
      %broadcast_in_dim3A_41 = vector.broadcast %broadcast_in_dim3A : i32 to vector<16xi32>
      %gather3A = tpu.vector_load_idx %arg6[%add3A_40, %broadcast_in_dim3A_41] : memref<640x16xf32, #tpu.memory_space<vmem>>[vector<16xi32>, vector<16xi32>], vector<16xf32>,
      %mul3A_42 = arith.constant 16 : i32
      %mul3A_43 = arith.muli %add3A_36, %mul3A_42 : i32
      %swap3A = arith.index_cast %mul3A_43 : i32 to index
      %swap3A_44 = tpu.vector_load %arg7[%swap3A] {strides = array<i32>} : memref<640xf32, #tpu.memory_space<vmem>>, vector<16xf32>,
      tpu.vector_store %arg7[%swap3A], %gather3A {strides = array<i32>} : memref<640xf32, #tpu.memory_space<vmem>>, vector<16xf32>,
    }
    %scan3A_29 = arith.constant 40 : i32
    %mul3A_30 = arith.constant 640 : i32
    %mul3A_31 = arith.muli %arg1, %mul3A_30 : i32
    "tpu.region"() ({
      %run_scoped3A_32 = tpu.sem_alloc : memref<!tpu.dma_semaphore, #tpu.memory_space<semaphore_mem>>
      %dma_start3A = tpu.memref_slice %arg3[%arg0, %mul3A_31] : memref<2x10240xf32, #tpu.memory_space<hbm>> -> memref<1x640xf32, #tpu.memory_space<hbm>>
      %dma_start3A_33 = tpu.memref_squeeze %dma_start3A : memref<1x640xf32, #tpu.memory_space<hbm>> -> memref<640xf32, #tpu.memory_space<hbm>>
      %dma_start3A_34 = tpu.memref_slice %arg3[%arg0, %mul3A_31] : memref<2x10240xf32, #tpu.memory_space<hbm>> -> memref<1x640xf32, #tpu.memory_space<hbm>>
      %dma_start3A_35 = tpu.memref_squeeze %dma_start3A_34 : memref<1x640xf32, #tpu.memory_space<hbm>> -> memref<640xf32, #tpu.memory_space<hbm>>
      tpu.enqueue_dma source(%arg7 : memref<640xf32, #tpu.memory_space<vmem>>) target(%dma_start3A_35 : memref<640xf32, #tpu.memory_space<hbm>>) target_semaphore(%run_scoped3A_32 : memref<!tpu.dma_semaphore, #tpu.memory_space<semaphore_mem>>)
      %dma_wait3A = tpu.memref_slice %arg3[%arg0, %mul3A_31] : memref<2x10240xf32, #tpu.memory_space<hbm>> -> memref<1x640xf32, #tpu.memory_space<hbm>>
      %dma_wait3A_36 = tpu.memref_squeeze %dma_wait3A : memref<1x640xf32, #tpu.memory_space<hbm>> -> memref<640xf32, #tpu.memory_space<hbm>>
      %dma_wait3A_37 = tpu.memref_slice %arg3[%arg0, %mul3A_31] : memref<2x10240xf32, #tpu.memory_space<hbm>> -> memref<1x640xf32, #tpu.memory_space<hbm>>
      %dma_wait3A_38 = tpu.memref_squeeze %dma_wait3A_37 : memref<1x640xf32, #tpu.memory_space<hbm>> -> memref<640xf32, #tpu.memory_space<hbm>>
      tpu.wait_dma2 semaphore(%run_scoped3A_32 : memref<!tpu.dma_semaphore, #tpu.memory_space<semaphore_mem>>) src(%arg7 : memref<640xf32, #tpu.memory_space<vmem>>) dst(%dma_wait3A_38 : memref<640xf32, #tpu.memory_space<hbm>>)
      tpu.yield
    }) : () -> ()
    return
  }
}

#map = affine_map<(d0, d1) -> (0, 0)>
#map1 = affine_map<(d0, d1) -> (0, 0, 0, 0)>
#map2 = affine_map<(d0, d1) -> (0, 0, 0)>
module attributes {stable_mosaic.version = 14 : i64} {
  func.func @_agg_kernel(%arg0: i32, %arg1: i32, %arg2: memref<10000x64xf32, #tpu.memory_space<hbm>>, %arg3: memref<2x32x80x125xi32, #tpu.memory_space<hbm>>, %arg4: memref<2x10112x64xf32, #tpu.memory_space<hbm>>, %arg5: memref<80x125xi32, #tpu.memory_space<vmem>>, %arg6: memref<80x125xi32, #tpu.memory_space<vmem>>, %arg7: memref<125x64xf32, #tpu.memory_space<vmem>>, %arg8: memref<125x64xf32, #tpu.memory_space<vmem>>, %arg9: memref<125x64xf32, #tpu.memory_space<vmem>>, %arg10: memref<125x64xf32, #tpu.memory_space<vmem>>, %arg11: memref<125x64xf32, #tpu.memory_space<vmem>>, %arg12: memref<125x64xf32, #tpu.memory_space<vmem>>, %arg13: memref<125x64xf32, #tpu.memory_space<vmem>>, %arg14: memref<125x64xf32, #tpu.memory_space<vmem>>, %arg15: memref<80x64xf32, #tpu.memory_space<vmem>>, %arg16: memref<10112x64xf32, #tpu.memory_space<vmem_shared>>, %arg17: memref<!tpu.dma_semaphore, #tpu.memory_space<semaphore_mem>>, %arg18: memref<!tpu.dma_semaphore, #tpu.memory_space<semaphore_mem>>, %arg19: memref<!tpu.dma_semaphore, #tpu.memory_space<semaphore_mem>>, %arg20: memref<!tpu.dma_semaphore, #tpu.memory_space<semaphore_mem>>, %arg21: memref<!tpu.dma_semaphore, #tpu.memory_space<semaphore_mem>>, %arg22: memref<!tpu.dma_semaphore, #tpu.memory_space<semaphore_mem>>, %arg23: memref<!tpu.dma_semaphore, #tpu.memory_space<semaphore_mem>>, %arg24: memref<!tpu.dma_semaphore, #tpu.memory_space<semaphore_mem>>, %arg25: memref<!tpu.dma_semaphore, #tpu.memory_space<semaphore_mem>>, %arg26: memref<!tpu.dma_semaphore, #tpu.memory_space<semaphore_mem>>, %arg27: memref<!tpu.dma_semaphore, #tpu.memory_space<semaphore_mem>>, %arg28: memref<!tpu.dma_semaphore, #tpu.memory_space<semaphore_mem>>, %arg29: memref<!tpu.dma_semaphore, #tpu.memory_space<semaphore_mem>>, %arg30: memref<!tpu.dma_semaphore, #tpu.memory_space<semaphore_mem>>, %arg31: memref<!tpu.dma_semaphore, #tpu.memory_space<semaphore_mem>>, %arg32: memref<!tpu.dma_semaphore, #tpu.memory_space<semaphore_mem>>) attributes {dimension_semantics = [#tpu.dimension_semantics<core_parallel>, #tpu.dimension_semantics<subcore_parallel>], iteration_bounds = array<i64: 2, 16>, scalar_prefetch = 0 : i64, scratch_operands = 28 : i64, tpu.core_type = #tpu.core_type<sc_vector_subcore>, window_params = [{transform_indices = #map}, {transform_indices = #map1}, {transform_indices = #map2}]} {
    %mul3A = arith.constant 16 : i32
    %mul3A_0 = arith.muli %arg0, %mul3A : i32
    %add3A = arith.addi %mul3A_0, %arg1 : i32
    %scan3A = arith.constant 0 : i32
    %scan3A_1 = arith.constant 80 : i32
    %scan3A_2 = arith.addi %scan3A, %scan3A_1 : i32
    %scan3A_3 = arith.constant 1 : i32
    scf.for %scan3A_253 = %scan3A to %scan3A_2 step %scan3A_3  : i32 {
      %mul3A_254 = arith.constant 1 : i32
      %mul3A_255 = arith.muli %scan3A_253, %mul3A_254 : i32
      %add3A_256 = arith.constant 0 : i32
      %add3A_257 = arith.addi %add3A_256, %mul3A_255 : i32
      %broadcast_in_dim3A = arith.constant 0.000000e+00 : f32
      %broadcast_in_dim3A_258 = vector.broadcast %broadcast_in_dim3A : f32 to vector<16xf32>
      %swap3A = arith.index_cast %add3A_257 : i32 to index
      %swap3A_259 = arith.constant 0 : index
      %swap3A_260 = tpu.vector_load %arg15[%swap3A, %swap3A_259] {strides = array<i32>} : memref<80x64xf32, #tpu.memory_space<vmem>>, vector<16xf32>,
      tpu.vector_store %arg15[%swap3A, %swap3A_259], %broadcast_in_dim3A_258 {strides = array<i32>} : memref<80x64xf32, #tpu.memory_space<vmem>>, vector<16xf32>,
      %broadcast_in_dim3A_261 = arith.constant 0.000000e+00 : f32
      %broadcast_in_dim3A_262 = vector.broadcast %broadcast_in_dim3A_261 : f32 to vector<16xf32>
      %swap3A_263 = arith.index_cast %add3A_257 : i32 to index
      %swap3A_264 = arith.constant 16 : index
      %swap3A_265 = tpu.vector_load %arg15[%swap3A_263, %swap3A_264] {strides = array<i32>} : memref<80x64xf32, #tpu.memory_space<vmem>>, vector<16xf32>,
      tpu.vector_store %arg15[%swap3A_263, %swap3A_264], %broadcast_in_dim3A_262 {strides = array<i32>} : memref<80x64xf32, #tpu.memory_space<vmem>>, vector<16xf32>,
      %broadcast_in_dim3A_266 = arith.constant 0.000000e+00 : f32
      %broadcast_in_dim3A_267 = vector.broadcast %broadcast_in_dim3A_266 : f32 to vector<16xf32>
      %swap3A_268 = arith.index_cast %add3A_257 : i32 to index
      %swap3A_269 = arith.constant 32 : index
      %swap3A_270 = tpu.vector_load %arg15[%swap3A_268, %swap3A_269] {strides = array<i32>} : memref<80x64xf32, #tpu.memory_space<vmem>>, vector<16xf32>,
      tpu.vector_store %arg15[%swap3A_268, %swap3A_269], %broadcast_in_dim3A_267 {strides = array<i32>} : memref<80x64xf32, #tpu.memory_space<vmem>>, vector<16xf32>,
      %broadcast_in_dim3A_271 = arith.constant 0.000000e+00 : f32
      %broadcast_in_dim3A_272 = vector.broadcast %broadcast_in_dim3A_271 : f32 to vector<16xf32>
      %swap3A_273 = arith.index_cast %add3A_257 : i32 to index
      %swap3A_274 = arith.constant 48 : index
      %swap3A_275 = tpu.vector_load %arg15[%swap3A_273, %swap3A_274] {strides = array<i32>} : memref<80x64xf32, #tpu.memory_space<vmem>>, vector<16xf32>,
      tpu.vector_store %arg15[%swap3A_273, %swap3A_274], %broadcast_in_dim3A_272 {strides = array<i32>} : memref<80x64xf32, #tpu.memory_space<vmem>>, vector<16xf32>,
    }
    %scan3A_4 = arith.constant 80 : i32
    %mul3A_5 = arith.constant 632 : i32
    %mul3A_6 = arith.muli %arg1, %mul3A_5 : i32
    %add3A_7 = arith.constant 0 : i32
    %add3A_8 = arith.addi %mul3A_6, %add3A_7 : i32
    "tpu.region"() ({
      %run_scoped3A_253 = tpu.sem_alloc : memref<!tpu.dma_semaphore, #tpu.memory_space<semaphore_mem>>
      %dma_start3A_254 = arith.constant 0 : i32
      %dma_start3A_255 = tpu.memref_slice %arg16[%add3A_8, %dma_start3A_254] : memref<10112x64xf32, #tpu.memory_space<vmem_shared>> -> memref<80x64xf32, #tpu.memory_space<vmem_shared>>
      %dma_start3A_256 = arith.constant 0 : i32
      %dma_start3A_257 = tpu.memref_slice %arg16[%add3A_8, %dma_start3A_256] : memref<10112x64xf32, #tpu.memory_space<vmem_shared>> -> memref<80x64xf32, #tpu.memory_space<vmem_shared>>
      tpu.enqueue_dma source(%arg15 : memref<80x64xf32, #tpu.memory_space<vmem>>) target(%dma_start3A_257 : memref<80x64xf32, #tpu.memory_space<vmem_shared>>) target_semaphore(%run_scoped3A_253 : memref<!tpu.dma_semaphore, #tpu.memory_space<semaphore_mem>>)
      %dma_wait3A_258 = arith.constant 0 : i32
      %dma_wait3A_259 = tpu.memref_slice %arg16[%add3A_8, %dma_wait3A_258] : memref<10112x64xf32, #tpu.memory_space<vmem_shared>> -> memref<80x64xf32, #tpu.memory_space<vmem_shared>>
      %dma_wait3A_260 = arith.constant 0 : i32
      %dma_wait3A_261 = tpu.memref_slice %arg16[%add3A_8, %dma_wait3A_260] : memref<10112x64xf32, #tpu.memory_space<vmem_shared>> -> memref<80x64xf32, #tpu.memory_space<vmem_shared>>
      tpu.wait_dma2 semaphore(%run_scoped3A_253 : memref<!tpu.dma_semaphore, #tpu.memory_space<semaphore_mem>>) src(%arg15 : memref<80x64xf32, #tpu.memory_space<vmem>>) dst(%dma_wait3A_261 : memref<80x64xf32, #tpu.memory_space<vmem_shared>>)
      tpu.yield
    }) : () -> ()
    %add3A_9 = arith.constant 80 : i32
    %add3A_10 = arith.addi %mul3A_6, %add3A_9 : i32
    "tpu.region"() ({
      %run_scoped3A_253 = tpu.sem_alloc : memref<!tpu.dma_semaphore, #tpu.memory_space<semaphore_mem>>
      %dma_start3A_254 = arith.constant 0 : i32
      %dma_start3A_255 = tpu.memref_slice %arg16[%add3A_10, %dma_start3A_254] : memref<10112x64xf32, #tpu.memory_space<vmem_shared>> -> memref<80x64xf32, #tpu.memory_space<vmem_shared>>
      %dma_start3A_256 = arith.constant 0 : i32
      %dma_start3A_257 = tpu.memref_slice %arg16[%add3A_10, %dma_start3A_256] : memref<10112x64xf32, #tpu.memory_space<vmem_shared>> -> memref<80x64xf32, #tpu.memory_space<vmem_shared>>
      tpu.enqueue_dma source(%arg15 : memref<80x64xf32, #tpu.memory_space<vmem>>) target(%dma_start3A_257 : memref<80x64xf32, #tpu.memory_space<vmem_shared>>) target_semaphore(%run_scoped3A_253 : memref<!tpu.dma_semaphore, #tpu.memory_space<semaphore_mem>>)
      %dma_wait3A_258 = arith.constant 0 : i32
      %dma_wait3A_259 = tpu.memref_slice %arg16[%add3A_10, %dma_wait3A_258] : memref<10112x64xf32, #tpu.memory_space<vmem_shared>> -> memref<80x64xf32, #tpu.memory_space<vmem_shared>>
      %dma_wait3A_260 = arith.constant 0 : i32
      %dma_wait3A_261 = tpu.memref_slice %arg16[%add3A_10, %dma_wait3A_260] : memref<10112x64xf32, #tpu.memory_space<vmem_shared>> -> memref<80x64xf32, #tpu.memory_space<vmem_shared>>
      tpu.wait_dma2 semaphore(%run_scoped3A_253 : memref<!tpu.dma_semaphore, #tpu.memory_space<semaphore_mem>>) src(%arg15 : memref<80x64xf32, #tpu.memory_space<vmem>>) dst(%dma_wait3A_261 : memref<80x64xf32, #tpu.memory_space<vmem_shared>>)
      tpu.yield
    }) : () -> ()
    %add3A_11 = arith.constant 160 : i32
    %add3A_12 = arith.addi %mul3A_6, %add3A_11 : i32
    "tpu.region"() ({
      %run_scoped3A_253 = tpu.sem_alloc : memref<!tpu.dma_semaphore, #tpu.memory_space<semaphore_mem>>
      %dma_start3A_254 = arith.constant 0 : i32
      %dma_start3A_255 = tpu.memref_slice %arg16[%add3A_12, %dma_start3A_254] : memref<10112x64xf32, #tpu.memory_space<vmem_shared>> -> memref<80x64xf32, #tpu.memory_space<vmem_shared>>
      %dma_start3A_256 = arith.constant 0 : i32
      %dma_start3A_257 = tpu.memref_slice %arg16[%add3A_12, %dma_start3A_256] : memref<10112x64xf32, #tpu.memory_space<vmem_shared>> -> memref<80x64xf32, #tpu.memory_space<vmem_shared>>
      tpu.enqueue_dma source(%arg15 : memref<80x64xf32, #tpu.memory_space<vmem>>) target(%dma_start3A_257 : memref<80x64xf32, #tpu.memory_space<vmem_shared>>) target_semaphore(%run_scoped3A_253 : memref<!tpu.dma_semaphore, #tpu.memory_space<semaphore_mem>>)
      %dma_wait3A_258 = arith.constant 0 : i32
      %dma_wait3A_259 = tpu.memref_slice %arg16[%add3A_12, %dma_wait3A_258] : memref<10112x64xf32, #tpu.memory_space<vmem_shared>> -> memref<80x64xf32, #tpu.memory_space<vmem_shared>>
      %dma_wait3A_260 = arith.constant 0 : i32
      %dma_wait3A_261 = tpu.memref_slice %arg16[%add3A_12, %dma_wait3A_260] : memref<10112x64xf32, #tpu.memory_space<vmem_shared>> -> memref<80x64xf32, #tpu.memory_space<vmem_shared>>
      tpu.wait_dma2 semaphore(%run_scoped3A_253 : memref<!tpu.dma_semaphore, #tpu.memory_space<semaphore_mem>>) src(%arg15 : memref<80x64xf32, #tpu.memory_space<vmem>>) dst(%dma_wait3A_261 : memref<80x64xf32, #tpu.memory_space<vmem_shared>>)
      tpu.yield
    }) : () -> ()
    %add3A_13 = arith.constant 240 : i32
    %add3A_14 = arith.addi %mul3A_6, %add3A_13 : i32
    "tpu.region"() ({
      %run_scoped3A_253 = tpu.sem_alloc : memref<!tpu.dma_semaphore, #tpu.memory_space<semaphore_mem>>
      %dma_start3A_254 = arith.constant 0 : i32
      %dma_start3A_255 = tpu.memref_slice %arg16[%add3A_14, %dma_start3A_254] : memref<10112x64xf32, #tpu.memory_space<vmem_shared>> -> memref<80x64xf32, #tpu.memory_space<vmem_shared>>
      %dma_start3A_256 = arith.constant 0 : i32
      %dma_start3A_257 = tpu.memref_slice %arg16[%add3A_14, %dma_start3A_256] : memref<10112x64xf32, #tpu.memory_space<vmem_shared>> -> memref<80x64xf32, #tpu.memory_space<vmem_shared>>
      tpu.enqueue_dma source(%arg15 : memref<80x64xf32, #tpu.memory_space<vmem>>) target(%dma_start3A_257 : memref<80x64xf32, #tpu.memory_space<vmem_shared>>) target_semaphore(%run_scoped3A_253 : memref<!tpu.dma_semaphore, #tpu.memory_space<semaphore_mem>>)
      %dma_wait3A_258 = arith.constant 0 : i32
      %dma_wait3A_259 = tpu.memref_slice %arg16[%add3A_14, %dma_wait3A_258] : memref<10112x64xf32, #tpu.memory_space<vmem_shared>> -> memref<80x64xf32, #tpu.memory_space<vmem_shared>>
      %dma_wait3A_260 = arith.constant 0 : i32
      %dma_wait3A_261 = tpu.memref_slice %arg16[%add3A_14, %dma_wait3A_260] : memref<10112x64xf32, #tpu.memory_space<vmem_shared>> -> memref<80x64xf32, #tpu.memory_space<vmem_shared>>
      tpu.wait_dma2 semaphore(%run_scoped3A_253 : memref<!tpu.dma_semaphore, #tpu.memory_space<semaphore_mem>>) src(%arg15 : memref<80x64xf32, #tpu.memory_space<vmem>>) dst(%dma_wait3A_261 : memref<80x64xf32, #tpu.memory_space<vmem_shared>>)
      tpu.yield
    }) : () -> ()
    %add3A_15 = arith.constant 320 : i32
    %add3A_16 = arith.addi %mul3A_6, %add3A_15 : i32
    "tpu.region"() ({
      %run_scoped3A_253 = tpu.sem_alloc : memref<!tpu.dma_semaphore, #tpu.memory_space<semaphore_mem>>
      %dma_start3A_254 = arith.constant 0 : i32
      %dma_start3A_255 = tpu.memref_slice %arg16[%add3A_16, %dma_start3A_254] : memref<10112x64xf32, #tpu.memory_space<vmem_shared>> -> memref<80x64xf32, #tpu.memory_space<vmem_shared>>
      %dma_start3A_256 = arith.constant 0 : i32
      %dma_start3A_257 = tpu.memref_slice %arg16[%add3A_16, %dma_start3A_256] : memref<10112x64xf32, #tpu.memory_space<vmem_shared>> -> memref<80x64xf32, #tpu.memory_space<vmem_shared>>
      tpu.enqueue_dma source(%arg15 : memref<80x64xf32, #tpu.memory_space<vmem>>) target(%dma_start3A_257 : memref<80x64xf32, #tpu.memory_space<vmem_shared>>) target_semaphore(%run_scoped3A_253 : memref<!tpu.dma_semaphore, #tpu.memory_space<semaphore_mem>>)
      %dma_wait3A_258 = arith.constant 0 : i32
      %dma_wait3A_259 = tpu.memref_slice %arg16[%add3A_16, %dma_wait3A_258] : memref<10112x64xf32, #tpu.memory_space<vmem_shared>> -> memref<80x64xf32, #tpu.memory_space<vmem_shared>>
      %dma_wait3A_260 = arith.constant 0 : i32
      %dma_wait3A_261 = tpu.memref_slice %arg16[%add3A_16, %dma_wait3A_260] : memref<10112x64xf32, #tpu.memory_space<vmem_shared>> -> memref<80x64xf32, #tpu.memory_space<vmem_shared>>
      tpu.wait_dma2 semaphore(%run_scoped3A_253 : memref<!tpu.dma_semaphore, #tpu.memory_space<semaphore_mem>>) src(%arg15 : memref<80x64xf32, #tpu.memory_space<vmem>>) dst(%dma_wait3A_261 : memref<80x64xf32, #tpu.memory_space<vmem_shared>>)
      tpu.yield
    }) : () -> ()
    %add3A_17 = arith.constant 400 : i32
    %add3A_18 = arith.addi %mul3A_6, %add3A_17 : i32
    "tpu.region"() ({
      %run_scoped3A_253 = tpu.sem_alloc : memref<!tpu.dma_semaphore, #tpu.memory_space<semaphore_mem>>
      %dma_start3A_254 = arith.constant 0 : i32
      %dma_start3A_255 = tpu.memref_slice %arg16[%add3A_18, %dma_start3A_254] : memref<10112x64xf32, #tpu.memory_space<vmem_shared>> -> memref<80x64xf32, #tpu.memory_space<vmem_shared>>
      %dma_start3A_256 = arith.constant 0 : i32
      %dma_start3A_257 = tpu.memref_slice %arg16[%add3A_18, %dma_start3A_256] : memref<10112x64xf32, #tpu.memory_space<vmem_shared>> -> memref<80x64xf32, #tpu.memory_space<vmem_shared>>
      tpu.enqueue_dma source(%arg15 : memref<80x64xf32, #tpu.memory_space<vmem>>) target(%dma_start3A_257 : memref<80x64xf32, #tpu.memory_space<vmem_shared>>) target_semaphore(%run_scoped3A_253 : memref<!tpu.dma_semaphore, #tpu.memory_space<semaphore_mem>>)
      %dma_wait3A_258 = arith.constant 0 : i32
      %dma_wait3A_259 = tpu.memref_slice %arg16[%add3A_18, %dma_wait3A_258] : memref<10112x64xf32, #tpu.memory_space<vmem_shared>> -> memref<80x64xf32, #tpu.memory_space<vmem_shared>>
      %dma_wait3A_260 = arith.constant 0 : i32
      %dma_wait3A_261 = tpu.memref_slice %arg16[%add3A_18, %dma_wait3A_260] : memref<10112x64xf32, #tpu.memory_space<vmem_shared>> -> memref<80x64xf32, #tpu.memory_space<vmem_shared>>
      tpu.wait_dma2 semaphore(%run_scoped3A_253 : memref<!tpu.dma_semaphore, #tpu.memory_space<semaphore_mem>>) src(%arg15 : memref<80x64xf32, #tpu.memory_space<vmem>>) dst(%dma_wait3A_261 : memref<80x64xf32, #tpu.memory_space<vmem_shared>>)
      tpu.yield
    }) : () -> ()
    %add3A_19 = arith.constant 480 : i32
    %add3A_20 = arith.addi %mul3A_6, %add3A_19 : i32
    "tpu.region"() ({
      %run_scoped3A_253 = tpu.sem_alloc : memref<!tpu.dma_semaphore, #tpu.memory_space<semaphore_mem>>
      %dma_start3A_254 = arith.constant 0 : i32
      %dma_start3A_255 = tpu.memref_slice %arg16[%add3A_20, %dma_start3A_254] : memref<10112x64xf32, #tpu.memory_space<vmem_shared>> -> memref<80x64xf32, #tpu.memory_space<vmem_shared>>
      %dma_start3A_256 = arith.constant 0 : i32
      %dma_start3A_257 = tpu.memref_slice %arg16[%add3A_20, %dma_start3A_256] : memref<10112x64xf32, #tpu.memory_space<vmem_shared>> -> memref<80x64xf32, #tpu.memory_space<vmem_shared>>
      tpu.enqueue_dma source(%arg15 : memref<80x64xf32, #tpu.memory_space<vmem>>) target(%dma_start3A_257 : memref<80x64xf32, #tpu.memory_space<vmem_shared>>) target_semaphore(%run_scoped3A_253 : memref<!tpu.dma_semaphore, #tpu.memory_space<semaphore_mem>>)
      %dma_wait3A_258 = arith.constant 0 : i32
      %dma_wait3A_259 = tpu.memref_slice %arg16[%add3A_20, %dma_wait3A_258] : memref<10112x64xf32, #tpu.memory_space<vmem_shared>> -> memref<80x64xf32, #tpu.memory_space<vmem_shared>>
      %dma_wait3A_260 = arith.constant 0 : i32
      %dma_wait3A_261 = tpu.memref_slice %arg16[%add3A_20, %dma_wait3A_260] : memref<10112x64xf32, #tpu.memory_space<vmem_shared>> -> memref<80x64xf32, #tpu.memory_space<vmem_shared>>
      tpu.wait_dma2 semaphore(%run_scoped3A_253 : memref<!tpu.dma_semaphore, #tpu.memory_space<semaphore_mem>>) src(%arg15 : memref<80x64xf32, #tpu.memory_space<vmem>>) dst(%dma_wait3A_261 : memref<80x64xf32, #tpu.memory_space<vmem_shared>>)
      tpu.yield
    }) : () -> ()
    %add3A_21 = arith.constant 632 : i32
    %add3A_22 = arith.addi %mul3A_6, %add3A_21 : i32
    %sub3A = arith.constant 72 : i32
    %sub3A_23 = arith.subi %add3A_22, %sub3A : i32
    "tpu.region"() ({
      %run_scoped3A_253 = tpu.sem_alloc : memref<!tpu.dma_semaphore, #tpu.memory_space<semaphore_mem>>
      %dma_start3A_254 = arith.constant 0 : i32
      %dma_start3A_255 = arith.constant 0 : i32
      %dma_start3A_256 = tpu.memref_slice %arg15[%dma_start3A_254, %dma_start3A_255] : memref<80x64xf32, #tpu.memory_space<vmem>> -> memref<72x64xf32, #tpu.memory_space<vmem>>
      %dma_start3A_257 = arith.constant 0 : i32
      %dma_start3A_258 = tpu.memref_slice %arg16[%sub3A_23, %dma_start3A_257] : memref<10112x64xf32, #tpu.memory_space<vmem_shared>> -> memref<72x64xf32, #tpu.memory_space<vmem_shared>>
      %dma_start3A_259 = arith.constant 0 : i32
      %dma_start3A_260 = tpu.memref_slice %arg16[%sub3A_23, %dma_start3A_259] : memref<10112x64xf32, #tpu.memory_space<vmem_shared>> -> memref<72x64xf32, #tpu.memory_space<vmem_shared>>
      %dma_start3A_261 = arith.constant 0 : i32
      %dma_start3A_262 = arith.constant 0 : i32
      %dma_start3A_263 = tpu.memref_slice %arg15[%dma_start3A_261, %dma_start3A_262] : memref<80x64xf32, #tpu.memory_space<vmem>> -> memref<72x64xf32, #tpu.memory_space<vmem>>
      tpu.enqueue_dma source(%dma_start3A_263 : memref<72x64xf32, #tpu.memory_space<vmem>>) target(%dma_start3A_260 : memref<72x64xf32, #tpu.memory_space<vmem_shared>>) target_semaphore(%run_scoped3A_253 : memref<!tpu.dma_semaphore, #tpu.memory_space<semaphore_mem>>)
      %dma_wait3A_264 = arith.constant 0 : i32
      %dma_wait3A_265 = arith.constant 0 : i32
      %dma_wait3A_266 = tpu.memref_slice %arg15[%dma_wait3A_264, %dma_wait3A_265] : memref<80x64xf32, #tpu.memory_space<vmem>> -> memref<72x64xf32, #tpu.memory_space<vmem>>
      %dma_wait3A_267 = arith.constant 0 : i32
      %dma_wait3A_268 = tpu.memref_slice %arg16[%sub3A_23, %dma_wait3A_267] : memref<10112x64xf32, #tpu.memory_space<vmem_shared>> -> memref<72x64xf32, #tpu.memory_space<vmem_shared>>
      %dma_wait3A_269 = arith.constant 0 : i32
      %dma_wait3A_270 = tpu.memref_slice %arg16[%sub3A_23, %dma_wait3A_269] : memref<10112x64xf32, #tpu.memory_space<vmem_shared>> -> memref<72x64xf32, #tpu.memory_space<vmem_shared>>
      %dma_wait3A_271 = arith.constant 0 : i32
      %dma_wait3A_272 = arith.constant 0 : i32
      %dma_wait3A_273 = tpu.memref_slice %arg15[%dma_wait3A_271, %dma_wait3A_272] : memref<80x64xf32, #tpu.memory_space<vmem>> -> memref<72x64xf32, #tpu.memory_space<vmem>>
      tpu.wait_dma2 semaphore(%run_scoped3A_253 : memref<!tpu.dma_semaphore, #tpu.memory_space<semaphore_mem>>) src(%dma_wait3A_273 : memref<72x64xf32, #tpu.memory_space<vmem>>) dst(%dma_wait3A_270 : memref<72x64xf32, #tpu.memory_space<vmem_shared>>)
      tpu.yield
    }) : () -> ()
    %run_scoped3A = arith.constant 0 : i32
    "tpu.region"() ({
      %run_scoped3A_253 = tpu.sem_alloc : memref<!tpu.dma_semaphore, #tpu.memory_space<semaphore_mem>>
      %dma_start3A_254 = arith.constant 0 : i32
      %dma_start3A_255 = arith.constant 0 : i32
      %dma_start3A_256 = tpu.memref_slice %arg3[%run_scoped3A, %add3A, %dma_start3A_254, %dma_start3A_255] : memref<2x32x80x125xi32, #tpu.memory_space<hbm>> -> memref<1x1x80x125xi32, #tpu.memory_space<hbm>>
      %dma_start3A_257 = tpu.memref_squeeze %dma_start3A_256 : memref<1x1x80x125xi32, #tpu.memory_space<hbm>> -> memref<80x125xi32, #tpu.memory_space<hbm>>
      %dma_start3A_258 = arith.constant 0 : i32
      %dma_start3A_259 = arith.constant 0 : i32
      %dma_start3A_260 = tpu.memref_slice %arg3[%run_scoped3A, %add3A, %dma_start3A_258, %dma_start3A_259] : memref<2x32x80x125xi32, #tpu.memory_space<hbm>> -> memref<1x1x80x125xi32, #tpu.memory_space<hbm>>
      %dma_start3A_261 = tpu.memref_squeeze %dma_start3A_260 : memref<1x1x80x125xi32, #tpu.memory_space<hbm>> -> memref<80x125xi32, #tpu.memory_space<hbm>>
      tpu.enqueue_dma source(%dma_start3A_261 : memref<80x125xi32, #tpu.memory_space<hbm>>) target(%arg5 : memref<80x125xi32, #tpu.memory_space<vmem>>) target_semaphore(%run_scoped3A_253 : memref<!tpu.dma_semaphore, #tpu.memory_space<semaphore_mem>>)
      %dma_wait3A_262 = arith.constant 0 : i32
      %dma_wait3A_263 = arith.constant 0 : i32
      %dma_wait3A_264 = tpu.memref_slice %arg3[%run_scoped3A, %add3A, %dma_wait3A_262, %dma_wait3A_263] : memref<2x32x80x125xi32, #tpu.memory_space<hbm>> -> memref<1x1x80x125xi32, #tpu.memory_space<hbm>>
      %dma_wait3A_265 = tpu.memref_squeeze %dma_wait3A_264 : memref<1x1x80x125xi32, #tpu.memory_space<hbm>> -> memref<80x125xi32, #tpu.memory_space<hbm>>
      %dma_wait3A_266 = arith.constant 0 : i32
      %dma_wait3A_267 = arith.constant 0 : i32
      %dma_wait3A_268 = tpu.memref_slice %arg3[%run_scoped3A, %add3A, %dma_wait3A_266, %dma_wait3A_267] : memref<2x32x80x125xi32, #tpu.memory_space<hbm>> -> memref<1x1x80x125xi32, #tpu.memory_space<hbm>>
      %dma_wait3A_269 = tpu.memref_squeeze %dma_wait3A_268 : memref<1x1x80x125xi32, #tpu.memory_space<hbm>> -> memref<80x125xi32, #tpu.memory_space<hbm>>
      tpu.wait_dma2 semaphore(%run_scoped3A_253 : memref<!tpu.dma_semaphore, #tpu.memory_space<semaphore_mem>>) src(%dma_wait3A_269 : memref<80x125xi32, #tpu.memory_space<hbm>>) dst(%arg5 : memref<80x125xi32, #tpu.memory_space<vmem>>)
      tpu.yield
    }) : () -> ()
    %run_scoped3A_24 = arith.constant 1 : i32
    "tpu.region"() ({
      %run_scoped3A_253 = tpu.sem_alloc : memref<!tpu.dma_semaphore, #tpu.memory_space<semaphore_mem>>
      %dma_start3A_254 = arith.constant 0 : i32
      %dma_start3A_255 = arith.constant 0 : i32
      %dma_start3A_256 = tpu.memref_slice %arg3[%run_scoped3A_24, %add3A, %dma_start3A_254, %dma_start3A_255] : memref<2x32x80x125xi32, #tpu.memory_space<hbm>> -> memref<1x1x80x125xi32, #tpu.memory_space<hbm>>
      %dma_start3A_257 = tpu.memref_squeeze %dma_start3A_256 : memref<1x1x80x125xi32, #tpu.memory_space<hbm>> -> memref<80x125xi32, #tpu.memory_space<hbm>>
      %dma_start3A_258 = arith.constant 0 : i32
      %dma_start3A_259 = arith.constant 0 : i32
      %dma_start3A_260 = tpu.memref_slice %arg3[%run_scoped3A_24, %add3A, %dma_start3A_258, %dma_start3A_259] : memref<2x32x80x125xi32, #tpu.memory_space<hbm>> -> memref<1x1x80x125xi32, #tpu.memory_space<hbm>>
      %dma_start3A_261 = tpu.memref_squeeze %dma_start3A_260 : memref<1x1x80x125xi32, #tpu.memory_space<hbm>> -> memref<80x125xi32, #tpu.memory_space<hbm>>
      tpu.enqueue_dma source(%dma_start3A_261 : memref<80x125xi32, #tpu.memory_space<hbm>>) target(%arg6 : memref<80x125xi32, #tpu.memory_space<vmem>>) target_semaphore(%run_scoped3A_253 : memref<!tpu.dma_semaphore, #tpu.memory_space<semaphore_mem>>)
      %dma_wait3A_262 = arith.constant 0 : i32
      %dma_wait3A_263 = arith.constant 0 : i32
      %dma_wait3A_264 = tpu.memref_slice %arg3[%run_scoped3A_24, %add3A, %dma_wait3A_262, %dma_wait3A_263] : memref<2x32x80x125xi32, #tpu.memory_space<hbm>> -> memref<1x1x80x125xi32, #tpu.memory_space<hbm>>
      %dma_wait3A_265 = tpu.memref_squeeze %dma_wait3A_264 : memref<1x1x80x125xi32, #tpu.memory_space<hbm>> -> memref<80x125xi32, #tpu.memory_space<hbm>>
      %dma_wait3A_266 = arith.constant 0 : i32
      %dma_wait3A_267 = arith.constant 0 : i32
      %dma_wait3A_268 = tpu.memref_slice %arg3[%run_scoped3A_24, %add3A, %dma_wait3A_266, %dma_wait3A_267] : memref<2x32x80x125xi32, #tpu.memory_space<hbm>> -> memref<1x1x80x125xi32, #tpu.memory_space<hbm>>
      %dma_wait3A_269 = tpu.memref_squeeze %dma_wait3A_268 : memref<1x1x80x125xi32, #tpu.memory_space<hbm>> -> memref<80x125xi32, #tpu.memory_space<hbm>>
      tpu.wait_dma2 semaphore(%run_scoped3A_253 : memref<!tpu.dma_semaphore, #tpu.memory_space<semaphore_mem>>) src(%dma_wait3A_269 : memref<80x125xi32, #tpu.memory_space<hbm>>) dst(%arg6 : memref<80x125xi32, #tpu.memory_space<vmem>>)
      tpu.yield
    }) : () -> ()
    %barrier3A = arith.constant 0 : index
    tpu.barrier barrier_id(%barrier3A)
    %dma_start3A = arith.constant 0 : i32
    %dma_start3A_25 = arith.constant 0 : i32
    %dma_start3A_26 = tpu.memref_slice %arg5[%dma_start3A, %dma_start3A_25] : memref<80x125xi32, #tpu.memory_space<vmem>> -> memref<1x125xi32, #tpu.memory_space<vmem>>
    %dma_start3A_27 = tpu.memref_squeeze %dma_start3A_26 : memref<1x125xi32, #tpu.memory_space<vmem>> -> memref<125xi32, #tpu.memory_space<vmem>>
    %dma_start3A_28 = arith.constant 0 : i32
    %dma_start3A_29 = arith.constant 0 : i32
    %dma_start3A_30 = tpu.memref_slice %arg2[%dma_start3A_28, %dma_start3A_29] : memref<10000x64xf32, #tpu.memory_space<hbm>> -> memref<10000x64xf32, #tpu.memory_space<hbm>>
    tpu.enqueue_indirect_dma source(%dma_start3A_30 : memref<10000x64xf32, #tpu.memory_space<hbm>>) target(%arg7 : memref<125x64xf32, #tpu.memory_space<vmem>>) offsets(%dma_start3A_27 : memref<125xi32, #tpu.memory_space<vmem>>) semaphore(%arg17 : memref<!tpu.dma_semaphore, #tpu.memory_space<semaphore_mem>>)
    %dma_start3A_31 = arith.constant 1 : i32
    %dma_start3A_32 = arith.constant 0 : i32
    %dma_start3A_33 = tpu.memref_slice %arg5[%dma_start3A_31, %dma_start3A_32] : memref<80x125xi32, #tpu.memory_space<vmem>> -> memref<1x125xi32, #tpu.memory_space<vmem>>
    %dma_start3A_34 = tpu.memref_squeeze %dma_start3A_33 : memref<1x125xi32, #tpu.memory_space<vmem>> -> memref<125xi32, #tpu.memory_space<vmem>>
    %dma_start3A_35 = arith.constant 0 : i32
    %dma_start3A_36 = arith.constant 0 : i32
    %dma_start3A_37 = tpu.memref_slice %arg2[%dma_start3A_35, %dma_start3A_36] : memref<10000x64xf32, #tpu.memory_space<hbm>> -> memref<10000x64xf32, #tpu.memory_space<hbm>>
    tpu.enqueue_indirect_dma source(%dma_start3A_37 : memref<10000x64xf32, #tpu.memory_space<hbm>>) target(%arg8 : memref<125x64xf32, #tpu.memory_space<vmem>>) offsets(%dma_start3A_34 : memref<125xi32, #tpu.memory_space<vmem>>) semaphore(%arg18 : memref<!tpu.dma_semaphore, #tpu.memory_space<semaphore_mem>>)
    %dma_start3A_38 = arith.constant 2 : i32
    %dma_start3A_39 = arith.constant 0 : i32
    %dma_start3A_40 = tpu.memref_slice %arg5[%dma_start3A_38, %dma_start3A_39] : memref<80x125xi32, #tpu.memory_space<vmem>> -> memref<1x125xi32, #tpu.memory_space<vmem>>
    %dma_start3A_41 = tpu.memref_squeeze %dma_start3A_40 : memref<1x125xi32, #tpu.memory_space<vmem>> -> memref<125xi32, #tpu.memory_space<vmem>>
    %dma_start3A_42 = arith.constant 0 : i32
    %dma_start3A_43 = arith.constant 0 : i32
    %dma_start3A_44 = tpu.memref_slice %arg2[%dma_start3A_42, %dma_start3A_43] : memref<10000x64xf32, #tpu.memory_space<hbm>> -> memref<10000x64xf32, #tpu.memory_space<hbm>>
    tpu.enqueue_indirect_dma source(%dma_start3A_44 : memref<10000x64xf32, #tpu.memory_space<hbm>>) target(%arg9 : memref<125x64xf32, #tpu.memory_space<vmem>>) offsets(%dma_start3A_41 : memref<125xi32, #tpu.memory_space<vmem>>) semaphore(%arg19 : memref<!tpu.dma_semaphore, #tpu.memory_space<semaphore_mem>>)
    %dma_start3A_45 = arith.constant 3 : i32
    %dma_start3A_46 = arith.constant 0 : i32
    %dma_start3A_47 = tpu.memref_slice %arg5[%dma_start3A_45, %dma_start3A_46] : memref<80x125xi32, #tpu.memory_space<vmem>> -> memref<1x125xi32, #tpu.memory_space<vmem>>
    %dma_start3A_48 = tpu.memref_squeeze %dma_start3A_47 : memref<1x125xi32, #tpu.memory_space<vmem>> -> memref<125xi32, #tpu.memory_space<vmem>>
    %dma_start3A_49 = arith.constant 0 : i32
    %dma_start3A_50 = arith.constant 0 : i32
    %dma_start3A_51 = tpu.memref_slice %arg2[%dma_start3A_49, %dma_start3A_50] : memref<10000x64xf32, #tpu.memory_space<hbm>> -> memref<10000x64xf32, #tpu.memory_space<hbm>>
    tpu.enqueue_indirect_dma source(%dma_start3A_51 : memref<10000x64xf32, #tpu.memory_space<hbm>>) target(%arg10 : memref<125x64xf32, #tpu.memory_space<vmem>>) offsets(%dma_start3A_48 : memref<125xi32, #tpu.memory_space<vmem>>) semaphore(%arg20 : memref<!tpu.dma_semaphore, #tpu.memory_space<semaphore_mem>>)
    %dma_wait3A = arith.constant 0 : i32
    %dma_wait3A_52 = arith.constant 0 : i32
    %dma_wait3A_53 = tpu.memref_slice %arg5[%dma_wait3A, %dma_wait3A_52] : memref<80x125xi32, #tpu.memory_space<vmem>> -> memref<1x125xi32, #tpu.memory_space<vmem>>
    %dma_wait3A_54 = tpu.memref_squeeze %dma_wait3A_53 : memref<1x125xi32, #tpu.memory_space<vmem>> -> memref<125xi32, #tpu.memory_space<vmem>>
    %dma_wait3A_55 = arith.constant 0 : i32
    %dma_wait3A_56 = arith.constant 0 : i32
    %dma_wait3A_57 = tpu.memref_slice %arg2[%dma_wait3A_55, %dma_wait3A_56] : memref<10000x64xf32, #tpu.memory_space<hbm>> -> memref<10000x64xf32, #tpu.memory_space<hbm>>
    tpu.wait_indirect_dma semaphore(%arg17 : memref<!tpu.dma_semaphore, #tpu.memory_space<semaphore_mem>>) src(%dma_wait3A_57 : memref<10000x64xf32, #tpu.memory_space<hbm>>) dst(%arg7 : memref<125x64xf32, #tpu.memory_space<vmem>>)
    %dma_start3A_58 = arith.constant 0 : i32
    %dma_start3A_59 = arith.constant 0 : i32
    %dma_start3A_60 = tpu.memref_slice %arg6[%dma_start3A_58, %dma_start3A_59] : memref<80x125xi32, #tpu.memory_space<vmem>> -> memref<1x125xi32, #tpu.memory_space<vmem>>
    %dma_start3A_61 = tpu.memref_squeeze %dma_start3A_60 : memref<1x125xi32, #tpu.memory_space<vmem>> -> memref<125xi32, #tpu.memory_space<vmem>>
    %dma_start3A_62 = arith.constant 0 : i32
    %dma_start3A_63 = arith.constant 0 : i32
    %dma_start3A_64 = tpu.memref_slice %arg16[%dma_start3A_62, %dma_start3A_63] : memref<10112x64xf32, #tpu.memory_space<vmem_shared>> -> memref<10112x64xf32, #tpu.memory_space<vmem_shared>>
    tpu.enqueue_indirect_dma source(%arg7 : memref<125x64xf32, #tpu.memory_space<vmem>>) target(%dma_start3A_64 : memref<10112x64xf32, #tpu.memory_space<vmem_shared>>) offsets(%dma_start3A_61 : memref<125xi32, #tpu.memory_space<vmem>>) semaphore(%arg25 : memref<!tpu.dma_semaphore, #tpu.memory_space<semaphore_mem>>) {add = true}
    %dma_start3A_65 = arith.constant 4 : i32
    %dma_start3A_66 = arith.constant 0 : i32
    %dma_start3A_67 = tpu.memref_slice %arg5[%dma_start3A_65, %dma_start3A_66] : memref<80x125xi32, #tpu.memory_space<vmem>> -> memref<1x125xi32, #tpu.memory_space<vmem>>
    %dma_start3A_68 = tpu.memref_squeeze %dma_start3A_67 : memref<1x125xi32, #tpu.memory_space<vmem>> -> memref<125xi32, #tpu.memory_space<vmem>>
    %dma_start3A_69 = arith.constant 0 : i32
    %dma_start3A_70 = arith.constant 0 : i32
    %dma_start3A_71 = tpu.memref_slice %arg2[%dma_start3A_69, %dma_start3A_70] : memref<10000x64xf32, #tpu.memory_space<hbm>> -> memref<10000x64xf32, #tpu.memory_space<hbm>>
    tpu.enqueue_indirect_dma source(%dma_start3A_71 : memref<10000x64xf32, #tpu.memory_space<hbm>>) target(%arg11 : memref<125x64xf32, #tpu.memory_space<vmem>>) offsets(%dma_start3A_68 : memref<125xi32, #tpu.memory_space<vmem>>) semaphore(%arg21 : memref<!tpu.dma_semaphore, #tpu.memory_space<semaphore_mem>>)
    %dma_wait3A_72 = arith.constant 1 : i32
    %dma_wait3A_73 = arith.constant 0 : i32
    %dma_wait3A_74 = tpu.memref_slice %arg5[%dma_wait3A_72, %dma_wait3A_73] : memref<80x125xi32, #tpu.memory_space<vmem>> -> memref<1x125xi32, #tpu.memory_space<vmem>>
    %dma_wait3A_75 = tpu.memref_squeeze %dma_wait3A_74 : memref<1x125xi32, #tpu.memory_space<vmem>> -> memref<125xi32, #tpu.memory_space<vmem>>
    %dma_wait3A_76 = arith.constant 0 : i32
    %dma_wait3A_77 = arith.constant 0 : i32
    %dma_wait3A_78 = tpu.memref_slice %arg2[%dma_wait3A_76, %dma_wait3A_77] : memref<10000x64xf32, #tpu.memory_space<hbm>> -> memref<10000x64xf32, #tpu.memory_space<hbm>>
    tpu.wait_indirect_dma semaphore(%arg18 : memref<!tpu.dma_semaphore, #tpu.memory_space<semaphore_mem>>) src(%dma_wait3A_78 : memref<10000x64xf32, #tpu.memory_space<hbm>>) dst(%arg8 : memref<125x64xf32, #tpu.memory_space<vmem>>)
    %dma_start3A_79 = arith.constant 1 : i32
    %dma_start3A_80 = arith.constant 0 : i32
    %dma_start3A_81 = tpu.memref_slice %arg6[%dma_start3A_79, %dma_start3A_80] : memref<80x125xi32, #tpu.memory_space<vmem>> -> memref<1x125xi32, #tpu.memory_space<vmem>>
    %dma_start3A_82 = tpu.memref_squeeze %dma_start3A_81 : memref<1x125xi32, #tpu.memory_space<vmem>> -> memref<125xi32, #tpu.memory_space<vmem>>
    %dma_start3A_83 = arith.constant 0 : i32
    %dma_start3A_84 = arith.constant 0 : i32
    %dma_start3A_85 = tpu.memref_slice %arg16[%dma_start3A_83, %dma_start3A_84] : memref<10112x64xf32, #tpu.memory_space<vmem_shared>> -> memref<10112x64xf32, #tpu.memory_space<vmem_shared>>
    tpu.enqueue_indirect_dma source(%arg8 : memref<125x64xf32, #tpu.memory_space<vmem>>) target(%dma_start3A_85 : memref<10112x64xf32, #tpu.memory_space<vmem_shared>>) offsets(%dma_start3A_82 : memref<125xi32, #tpu.memory_space<vmem>>) semaphore(%arg26 : memref<!tpu.dma_semaphore, #tpu.memory_space<semaphore_mem>>) {add = true}
    %dma_start3A_86 = arith.constant 5 : i32
    %dma_start3A_87 = arith.constant 0 : i32
    %dma_start3A_88 = tpu.memref_slice %arg5[%dma_start3A_86, %dma_start3A_87] : memref<80x125xi32, #tpu.memory_space<vmem>> -> memref<1x125xi32, #tpu.memory_space<vmem>>
    %dma_start3A_89 = tpu.memref_squeeze %dma_start3A_88 : memref<1x125xi32, #tpu.memory_space<vmem>> -> memref<125xi32, #tpu.memory_space<vmem>>
    %dma_start3A_90 = arith.constant 0 : i32
    %dma_start3A_91 = arith.constant 0 : i32
    %dma_start3A_92 = tpu.memref_slice %arg2[%dma_start3A_90, %dma_start3A_91] : memref<10000x64xf32, #tpu.memory_space<hbm>> -> memref<10000x64xf32, #tpu.memory_space<hbm>>
    tpu.enqueue_indirect_dma source(%dma_start3A_92 : memref<10000x64xf32, #tpu.memory_space<hbm>>) target(%arg12 : memref<125x64xf32, #tpu.memory_space<vmem>>) offsets(%dma_start3A_89 : memref<125xi32, #tpu.memory_space<vmem>>) semaphore(%arg22 : memref<!tpu.dma_semaphore, #tpu.memory_space<semaphore_mem>>)
    %dma_wait3A_93 = arith.constant 2 : i32
    %dma_wait3A_94 = arith.constant 0 : i32
    %dma_wait3A_95 = tpu.memref_slice %arg5[%dma_wait3A_93, %dma_wait3A_94] : memref<80x125xi32, #tpu.memory_space<vmem>> -> memref<1x125xi32, #tpu.memory_space<vmem>>
    %dma_wait3A_96 = tpu.memref_squeeze %dma_wait3A_95 : memref<1x125xi32, #tpu.memory_space<vmem>> -> memref<125xi32, #tpu.memory_space<vmem>>
    %dma_wait3A_97 = arith.constant 0 : i32
    %dma_wait3A_98 = arith.constant 0 : i32
    %dma_wait3A_99 = tpu.memref_slice %arg2[%dma_wait3A_97, %dma_wait3A_98] : memref<10000x64xf32, #tpu.memory_space<hbm>> -> memref<10000x64xf32, #tpu.memory_space<hbm>>
    tpu.wait_indirect_dma semaphore(%arg19 : memref<!tpu.dma_semaphore, #tpu.memory_space<semaphore_mem>>) src(%dma_wait3A_99 : memref<10000x64xf32, #tpu.memory_space<hbm>>) dst(%arg9 : memref<125x64xf32, #tpu.memory_space<vmem>>)
    %dma_start3A_100 = arith.constant 2 : i32
    %dma_start3A_101 = arith.constant 0 : i32
    %dma_start3A_102 = tpu.memref_slice %arg6[%dma_start3A_100, %dma_start3A_101] : memref<80x125xi32, #tpu.memory_space<vmem>> -> memref<1x125xi32, #tpu.memory_space<vmem>>
    %dma_start3A_103 = tpu.memref_squeeze %dma_start3A_102 : memref<1x125xi32, #tpu.memory_space<vmem>> -> memref<125xi32, #tpu.memory_space<vmem>>
    %dma_start3A_104 = arith.constant 0 : i32
    %dma_start3A_105 = arith.constant 0 : i32
    %dma_start3A_106 = tpu.memref_slice %arg16[%dma_start3A_104, %dma_start3A_105] : memref<10112x64xf32, #tpu.memory_space<vmem_shared>> -> memref<10112x64xf32, #tpu.memory_space<vmem_shared>>
    tpu.enqueue_indirect_dma source(%arg9 : memref<125x64xf32, #tpu.memory_space<vmem>>) target(%dma_start3A_106 : memref<10112x64xf32, #tpu.memory_space<vmem_shared>>) offsets(%dma_start3A_103 : memref<125xi32, #tpu.memory_space<vmem>>) semaphore(%arg27 : memref<!tpu.dma_semaphore, #tpu.memory_space<semaphore_mem>>) {add = true}
    %dma_start3A_107 = arith.constant 6 : i32
    %dma_start3A_108 = arith.constant 0 : i32
    %dma_start3A_109 = tpu.memref_slice %arg5[%dma_start3A_107, %dma_start3A_108] : memref<80x125xi32, #tpu.memory_space<vmem>> -> memref<1x125xi32, #tpu.memory_space<vmem>>
    %dma_start3A_110 = tpu.memref_squeeze %dma_start3A_109 : memref<1x125xi32, #tpu.memory_space<vmem>> -> memref<125xi32, #tpu.memory_space<vmem>>
    %dma_start3A_111 = arith.constant 0 : i32
    %dma_start3A_112 = arith.constant 0 : i32
    %dma_start3A_113 = tpu.memref_slice %arg2[%dma_start3A_111, %dma_start3A_112] : memref<10000x64xf32, #tpu.memory_space<hbm>> -> memref<10000x64xf32, #tpu.memory_space<hbm>>
    tpu.enqueue_indirect_dma source(%dma_start3A_113 : memref<10000x64xf32, #tpu.memory_space<hbm>>) target(%arg13 : memref<125x64xf32, #tpu.memory_space<vmem>>) offsets(%dma_start3A_110 : memref<125xi32, #tpu.memory_space<vmem>>) semaphore(%arg23 : memref<!tpu.dma_semaphore, #tpu.memory_space<semaphore_mem>>)
    %dma_wait3A_114 = arith.constant 3 : i32
    %dma_wait3A_115 = arith.constant 0 : i32
    %dma_wait3A_116 = tpu.memref_slice %arg5[%dma_wait3A_114, %dma_wait3A_115] : memref<80x125xi32, #tpu.memory_space<vmem>> -> memref<1x125xi32, #tpu.memory_space<vmem>>
    %dma_wait3A_117 = tpu.memref_squeeze %dma_wait3A_116 : memref<1x125xi32, #tpu.memory_space<vmem>> -> memref<125xi32, #tpu.memory_space<vmem>>
    %dma_wait3A_118 = arith.constant 0 : i32
    %dma_wait3A_119 = arith.constant 0 : i32
    %dma_wait3A_120 = tpu.memref_slice %arg2[%dma_wait3A_118, %dma_wait3A_119] : memref<10000x64xf32, #tpu.memory_space<hbm>> -> memref<10000x64xf32, #tpu.memory_space<hbm>>
    tpu.wait_indirect_dma semaphore(%arg20 : memref<!tpu.dma_semaphore, #tpu.memory_space<semaphore_mem>>) src(%dma_wait3A_120 : memref<10000x64xf32, #tpu.memory_space<hbm>>) dst(%arg10 : memref<125x64xf32, #tpu.memory_space<vmem>>)
    %dma_start3A_121 = arith.constant 3 : i32
    %dma_start3A_122 = arith.constant 0 : i32
    %dma_start3A_123 = tpu.memref_slice %arg6[%dma_start3A_121, %dma_start3A_122] : memref<80x125xi32, #tpu.memory_space<vmem>> -> memref<1x125xi32, #tpu.memory_space<vmem>>
    %dma_start3A_124 = tpu.memref_squeeze %dma_start3A_123 : memref<1x125xi32, #tpu.memory_space<vmem>> -> memref<125xi32, #tpu.memory_space<vmem>>
    %dma_start3A_125 = arith.constant 0 : i32
    %dma_start3A_126 = arith.constant 0 : i32
    %dma_start3A_127 = tpu.memref_slice %arg16[%dma_start3A_125, %dma_start3A_126] : memref<10112x64xf32, #tpu.memory_space<vmem_shared>> -> memref<10112x64xf32, #tpu.memory_space<vmem_shared>>
    tpu.enqueue_indirect_dma source(%arg10 : memref<125x64xf32, #tpu.memory_space<vmem>>) target(%dma_start3A_127 : memref<10112x64xf32, #tpu.memory_space<vmem_shared>>) offsets(%dma_start3A_124 : memref<125xi32, #tpu.memory_space<vmem>>) semaphore(%arg28 : memref<!tpu.dma_semaphore, #tpu.memory_space<semaphore_mem>>) {add = true}
    %dma_start3A_128 = arith.constant 7 : i32
    %dma_start3A_129 = arith.constant 0 : i32
    %dma_start3A_130 = tpu.memref_slice %arg5[%dma_start3A_128, %dma_start3A_129] : memref<80x125xi32, #tpu.memory_space<vmem>> -> memref<1x125xi32, #tpu.memory_space<vmem>>
    %dma_start3A_131 = tpu.memref_squeeze %dma_start3A_130 : memref<1x125xi32, #tpu.memory_space<vmem>> -> memref<125xi32, #tpu.memory_space<vmem>>
    %dma_start3A_132 = arith.constant 0 : i32
    %dma_start3A_133 = arith.constant 0 : i32
    %dma_start3A_134 = tpu.memref_slice %arg2[%dma_start3A_132, %dma_start3A_133] : memref<10000x64xf32, #tpu.memory_space<hbm>> -> memref<10000x64xf32, #tpu.memory_space<hbm>>
    tpu.enqueue_indirect_dma source(%dma_start3A_134 : memref<10000x64xf32, #tpu.memory_space<hbm>>) target(%arg14 : memref<125x64xf32, #tpu.memory_space<vmem>>) offsets(%dma_start3A_131 : memref<125xi32, #tpu.memory_space<vmem>>) semaphore(%arg24 : memref<!tpu.dma_semaphore, #tpu.memory_space<semaphore_mem>>)
    %scan3A_135 = arith.constant 0 : i32
    %scan3A_136 = arith.constant 9 : i32
    %scan3A_137 = arith.addi %scan3A_135, %scan3A_136 : i32
    %scan3A_138 = arith.constant 1 : i32
    scf.for %scan3A_253 = %scan3A_135 to %scan3A_137 step %scan3A_138  : i32 {
      %mul3A_254 = arith.constant 8 : i32
      %mul3A_255 = arith.muli %scan3A_253, %mul3A_254 : i32
      %add3A_256 = arith.constant 4 : i32
      %add3A_257 = arith.addi %add3A_256, %mul3A_255 : i32
      %add3A_258 = arith.constant 0 : i32
      %add3A_259 = arith.addi %add3A_257, %add3A_258 : i32
      %dma_wait3A_260 = arith.constant 0 : i32
      %dma_wait3A_261 = tpu.memref_slice %arg5[%add3A_259, %dma_wait3A_260] : memref<80x125xi32, #tpu.memory_space<vmem>> -> memref<1x125xi32, #tpu.memory_space<vmem>>
      %dma_wait3A_262 = tpu.memref_squeeze %dma_wait3A_261 : memref<1x125xi32, #tpu.memory_space<vmem>> -> memref<125xi32, #tpu.memory_space<vmem>>
      %dma_wait3A_263 = arith.constant 0 : i32
      %dma_wait3A_264 = arith.constant 0 : i32
      %dma_wait3A_265 = tpu.memref_slice %arg2[%dma_wait3A_263, %dma_wait3A_264] : memref<10000x64xf32, #tpu.memory_space<hbm>> -> memref<10000x64xf32, #tpu.memory_space<hbm>>
      tpu.wait_indirect_dma semaphore(%arg21 : memref<!tpu.dma_semaphore, #tpu.memory_space<semaphore_mem>>) src(%dma_wait3A_265 : memref<10000x64xf32, #tpu.memory_space<hbm>>) dst(%arg11 : memref<125x64xf32, #tpu.memory_space<vmem>>)
      %dma_start3A_266 = arith.constant 0 : i32
      %dma_start3A_267 = tpu.memref_slice %arg6[%add3A_259, %dma_start3A_266] : memref<80x125xi32, #tpu.memory_space<vmem>> -> memref<1x125xi32, #tpu.memory_space<vmem>>
      %dma_start3A_268 = tpu.memref_squeeze %dma_start3A_267 : memref<1x125xi32, #tpu.memory_space<vmem>> -> memref<125xi32, #tpu.memory_space<vmem>>
      %dma_start3A_269 = arith.constant 0 : i32
      %dma_start3A_270 = arith.constant 0 : i32
      %dma_start3A_271 = tpu.memref_slice %arg16[%dma_start3A_269, %dma_start3A_270] : memref<10112x64xf32, #tpu.memory_space<vmem_shared>> -> memref<10112x64xf32, #tpu.memory_space<vmem_shared>>
      tpu.enqueue_indirect_dma source(%arg11 : memref<125x64xf32, #tpu.memory_space<vmem>>) target(%dma_start3A_271 : memref<10112x64xf32, #tpu.memory_space<vmem_shared>>) offsets(%dma_start3A_268 : memref<125xi32, #tpu.memory_space<vmem>>) semaphore(%arg29 : memref<!tpu.dma_semaphore, #tpu.memory_space<semaphore_mem>>) {add = true}
      %sub3A_272 = arith.constant 4 : i32
      %sub3A_273 = arith.subi %add3A_259, %sub3A_272 : i32
      %dma_wait3A_274 = arith.constant 0 : i32
      %dma_wait3A_275 = tpu.memref_slice %arg6[%sub3A_273, %dma_wait3A_274] : memref<80x125xi32, #tpu.memory_space<vmem>> -> memref<1x125xi32, #tpu.memory_space<vmem>>
      %dma_wait3A_276 = tpu.memref_squeeze %dma_wait3A_275 : memref<1x125xi32, #tpu.memory_space<vmem>> -> memref<125xi32, #tpu.memory_space<vmem>>
      %dma_wait3A_277 = arith.constant 0 : i32
      %dma_wait3A_278 = arith.constant 0 : i32
      %dma_wait3A_279 = tpu.memref_slice %arg16[%dma_wait3A_277, %dma_wait3A_278] : memref<10112x64xf32, #tpu.memory_space<vmem_shared>> -> memref<10112x64xf32, #tpu.memory_space<vmem_shared>>
      tpu.wait_indirect_dma semaphore(%arg25 : memref<!tpu.dma_semaphore, #tpu.memory_space<semaphore_mem>>) src(%arg7 : memref<125x64xf32, #tpu.memory_space<vmem>>) dst(%dma_wait3A_279 : memref<10112x64xf32, #tpu.memory_space<vmem_shared>>)
      %add3A_280 = arith.constant 4 : i32
      %add3A_281 = arith.addi %add3A_259, %add3A_280 : i32
      %dma_start3A_282 = arith.constant 0 : i32
      %dma_start3A_283 = tpu.memref_slice %arg5[%add3A_281, %dma_start3A_282] : memref<80x125xi32, #tpu.memory_space<vmem>> -> memref<1x125xi32, #tpu.memory_space<vmem>>
      %dma_start3A_284 = tpu.memref_squeeze %dma_start3A_283 : memref<1x125xi32, #tpu.memory_space<vmem>> -> memref<125xi32, #tpu.memory_space<vmem>>
      %dma_start3A_285 = arith.constant 0 : i32
      %dma_start3A_286 = arith.constant 0 : i32
      %dma_start3A_287 = tpu.memref_slice %arg2[%dma_start3A_285, %dma_start3A_286] : memref<10000x64xf32, #tpu.memory_space<hbm>> -> memref<10000x64xf32, #tpu.memory_space<hbm>>
      tpu.enqueue_indirect_dma source(%dma_start3A_287 : memref<10000x64xf32, #tpu.memory_space<hbm>>) target(%arg7 : memref<125x64xf32, #tpu.memory_space<vmem>>) offsets(%dma_start3A_284 : memref<125xi32, #tpu.memory_space<vmem>>) semaphore(%arg17 : memref<!tpu.dma_semaphore, #tpu.memory_space<semaphore_mem>>)
      %add3A_288 = arith.constant 1 : i32
      %add3A_289 = arith.addi %add3A_257, %add3A_288 : i32
      %dma_wait3A_290 = arith.constant 0 : i32
      %dma_wait3A_291 = tpu.memref_slice %arg5[%add3A_289, %dma_wait3A_290] : memref<80x125xi32, #tpu.memory_space<vmem>> -> memref<1x125xi32, #tpu.memory_space<vmem>>
      %dma_wait3A_292 = tpu.memref_squeeze %dma_wait3A_291 : memref<1x125xi32, #tpu.memory_space<vmem>> -> memref<125xi32, #tpu.memory_space<vmem>>
      %dma_wait3A_293 = arith.constant 0 : i32
      %dma_wait3A_294 = arith.constant 0 : i32
      %dma_wait3A_295 = tpu.memref_slice %arg2[%dma_wait3A_293, %dma_wait3A_294] : memref<10000x64xf32, #tpu.memory_space<hbm>> -> memref<10000x64xf32, #tpu.memory_space<hbm>>
      tpu.wait_indirect_dma semaphore(%arg22 : memref<!tpu.dma_semaphore, #tpu.memory_space<semaphore_mem>>) src(%dma_wait3A_295 : memref<10000x64xf32, #tpu.memory_space<hbm>>) dst(%arg12 : memref<125x64xf32, #tpu.memory_space<vmem>>)
      %dma_start3A_296 = arith.constant 0 : i32
      %dma_start3A_297 = tpu.memref_slice %arg6[%add3A_289, %dma_start3A_296] : memref<80x125xi32, #tpu.memory_space<vmem>> -> memref<1x125xi32, #tpu.memory_space<vmem>>
      %dma_start3A_298 = tpu.memref_squeeze %dma_start3A_297 : memref<1x125xi32, #tpu.memory_space<vmem>> -> memref<125xi32, #tpu.memory_space<vmem>>
      %dma_start3A_299 = arith.constant 0 : i32
      %dma_start3A_300 = arith.constant 0 : i32
      %dma_start3A_301 = tpu.memref_slice %arg16[%dma_start3A_299, %dma_start3A_300] : memref<10112x64xf32, #tpu.memory_space<vmem_shared>> -> memref<10112x64xf32, #tpu.memory_space<vmem_shared>>
      tpu.enqueue_indirect_dma source(%arg12 : memref<125x64xf32, #tpu.memory_space<vmem>>) target(%dma_start3A_301 : memref<10112x64xf32, #tpu.memory_space<vmem_shared>>) offsets(%dma_start3A_298 : memref<125xi32, #tpu.memory_space<vmem>>) semaphore(%arg30 : memref<!tpu.dma_semaphore, #tpu.memory_space<semaphore_mem>>) {add = true}
      %sub3A_302 = arith.constant 4 : i32
      %sub3A_303 = arith.subi %add3A_289, %sub3A_302 : i32
      %dma_wait3A_304 = arith.constant 0 : i32
      %dma_wait3A_305 = tpu.memref_slice %arg6[%sub3A_303, %dma_wait3A_304] : memref<80x125xi32, #tpu.memory_space<vmem>> -> memref<1x125xi32, #tpu.memory_space<vmem>>
      %dma_wait3A_306 = tpu.memref_squeeze %dma_wait3A_305 : memref<1x125xi32, #tpu.memory_space<vmem>> -> memref<125xi32, #tpu.memory_space<vmem>>
      %dma_wait3A_307 = arith.constant 0 : i32
      %dma_wait3A_308 = arith.constant 0 : i32
      %dma_wait3A_309 = tpu.memref_slice %arg16[%dma_wait3A_307, %dma_wait3A_308] : memref<10112x64xf32, #tpu.memory_space<vmem_shared>> -> memref<10112x64xf32, #tpu.memory_space<vmem_shared>>
      tpu.wait_indirect_dma semaphore(%arg26 : memref<!tpu.dma_semaphore, #tpu.memory_space<semaphore_mem>>) src(%arg8 : memref<125x64xf32, #tpu.memory_space<vmem>>) dst(%dma_wait3A_309 : memref<10112x64xf32, #tpu.memory_space<vmem_shared>>)
      %add3A_310 = arith.constant 4 : i32
      %add3A_311 = arith.addi %add3A_289, %add3A_310 : i32
      %dma_start3A_312 = arith.constant 0 : i32
      %dma_start3A_313 = tpu.memref_slice %arg5[%add3A_311, %dma_start3A_312] : memref<80x125xi32, #tpu.memory_space<vmem>> -> memref<1x125xi32, #tpu.memory_space<vmem>>
      %dma_start3A_314 = tpu.memref_squeeze %dma_start3A_313 : memref<1x125xi32, #tpu.memory_space<vmem>> -> memref<125xi32, #tpu.memory_space<vmem>>
      %dma_start3A_315 = arith.constant 0 : i32
      %dma_start3A_316 = arith.constant 0 : i32
      %dma_start3A_317 = tpu.memref_slice %arg2[%dma_start3A_315, %dma_start3A_316] : memref<10000x64xf32, #tpu.memory_space<hbm>> -> memref<10000x64xf32, #tpu.memory_space<hbm>>
      tpu.enqueue_indirect_dma source(%dma_start3A_317 : memref<10000x64xf32, #tpu.memory_space<hbm>>) target(%arg8 : memref<125x64xf32, #tpu.memory_space<vmem>>) offsets(%dma_start3A_314 : memref<125xi32, #tpu.memory_space<vmem>>) semaphore(%arg18 : memref<!tpu.dma_semaphore, #tpu.memory_space<semaphore_mem>>)
      %add3A_318 = arith.constant 2 : i32
      %add3A_319 = arith.addi %add3A_257, %add3A_318 : i32
      %dma_wait3A_320 = arith.constant 0 : i32
      %dma_wait3A_321 = tpu.memref_slice %arg5[%add3A_319, %dma_wait3A_320] : memref<80x125xi32, #tpu.memory_space<vmem>> -> memref<1x125xi32, #tpu.memory_space<vmem>>
      %dma_wait3A_322 = tpu.memref_squeeze %dma_wait3A_321 : memref<1x125xi32, #tpu.memory_space<vmem>> -> memref<125xi32, #tpu.memory_space<vmem>>
      %dma_wait3A_323 = arith.constant 0 : i32
      %dma_wait3A_324 = arith.constant 0 : i32
      %dma_wait3A_325 = tpu.memref_slice %arg2[%dma_wait3A_323, %dma_wait3A_324] : memref<10000x64xf32, #tpu.memory_space<hbm>> -> memref<10000x64xf32, #tpu.memory_space<hbm>>
      tpu.wait_indirect_dma semaphore(%arg23 : memref<!tpu.dma_semaphore, #tpu.memory_space<semaphore_mem>>) src(%dma_wait3A_325 : memref<10000x64xf32, #tpu.memory_space<hbm>>) dst(%arg13 : memref<125x64xf32, #tpu.memory_space<vmem>>)
      %dma_start3A_326 = arith.constant 0 : i32
      %dma_start3A_327 = tpu.memref_slice %arg6[%add3A_319, %dma_start3A_326] : memref<80x125xi32, #tpu.memory_space<vmem>> -> memref<1x125xi32, #tpu.memory_space<vmem>>
      %dma_start3A_328 = tpu.memref_squeeze %dma_start3A_327 : memref<1x125xi32, #tpu.memory_space<vmem>> -> memref<125xi32, #tpu.memory_space<vmem>>
      %dma_start3A_329 = arith.constant 0 : i32
      %dma_start3A_330 = arith.constant 0 : i32
      %dma_start3A_331 = tpu.memref_slice %arg16[%dma_start3A_329, %dma_start3A_330] : memref<10112x64xf32, #tpu.memory_space<vmem_shared>> -> memref<10112x64xf32, #tpu.memory_space<vmem_shared>>
      tpu.enqueue_indirect_dma source(%arg13 : memref<125x64xf32, #tpu.memory_space<vmem>>) target(%dma_start3A_331 : memref<10112x64xf32, #tpu.memory_space<vmem_shared>>) offsets(%dma_start3A_328 : memref<125xi32, #tpu.memory_space<vmem>>) semaphore(%arg31 : memref<!tpu.dma_semaphore, #tpu.memory_space<semaphore_mem>>) {add = true}
      %sub3A_332 = arith.constant 4 : i32
      %sub3A_333 = arith.subi %add3A_319, %sub3A_332 : i32
      %dma_wait3A_334 = arith.constant 0 : i32
      %dma_wait3A_335 = tpu.memref_slice %arg6[%sub3A_333, %dma_wait3A_334] : memref<80x125xi32, #tpu.memory_space<vmem>> -> memref<1x125xi32, #tpu.memory_space<vmem>>
      %dma_wait3A_336 = tpu.memref_squeeze %dma_wait3A_335 : memref<1x125xi32, #tpu.memory_space<vmem>> -> memref<125xi32, #tpu.memory_space<vmem>>
      %dma_wait3A_337 = arith.constant 0 : i32
      %dma_wait3A_338 = arith.constant 0 : i32
      %dma_wait3A_339 = tpu.memref_slice %arg16[%dma_wait3A_337, %dma_wait3A_338] : memref<10112x64xf32, #tpu.memory_space<vmem_shared>> -> memref<10112x64xf32, #tpu.memory_space<vmem_shared>>
      tpu.wait_indirect_dma semaphore(%arg27 : memref<!tpu.dma_semaphore, #tpu.memory_space<semaphore_mem>>) src(%arg9 : memref<125x64xf32, #tpu.memory_space<vmem>>) dst(%dma_wait3A_339 : memref<10112x64xf32, #tpu.memory_space<vmem_shared>>)
      %add3A_340 = arith.constant 4 : i32
      %add3A_341 = arith.addi %add3A_319, %add3A_340 : i32
      %dma_start3A_342 = arith.constant 0 : i32
      %dma_start3A_343 = tpu.memref_slice %arg5[%add3A_341, %dma_start3A_342] : memref<80x125xi32, #tpu.memory_space<vmem>> -> memref<1x125xi32, #tpu.memory_space<vmem>>
      %dma_start3A_344 = tpu.memref_squeeze %dma_start3A_343 : memref<1x125xi32, #tpu.memory_space<vmem>> -> memref<125xi32, #tpu.memory_space<vmem>>
      %dma_start3A_345 = arith.constant 0 : i32
      %dma_start3A_346 = arith.constant 0 : i32
      %dma_start3A_347 = tpu.memref_slice %arg2[%dma_start3A_345, %dma_start3A_346] : memref<10000x64xf32, #tpu.memory_space<hbm>> -> memref<10000x64xf32, #tpu.memory_space<hbm>>
      tpu.enqueue_indirect_dma source(%dma_start3A_347 : memref<10000x64xf32, #tpu.memory_space<hbm>>) target(%arg9 : memref<125x64xf32, #tpu.memory_space<vmem>>) offsets(%dma_start3A_344 : memref<125xi32, #tpu.memory_space<vmem>>) semaphore(%arg19 : memref<!tpu.dma_semaphore, #tpu.memory_space<semaphore_mem>>)
      %add3A_348 = arith.constant 3 : i32
      %add3A_349 = arith.addi %add3A_257, %add3A_348 : i32
      %dma_wait3A_350 = arith.constant 0 : i32
      %dma_wait3A_351 = tpu.memref_slice %arg5[%add3A_349, %dma_wait3A_350] : memref<80x125xi32, #tpu.memory_space<vmem>> -> memref<1x125xi32, #tpu.memory_space<vmem>>
      %dma_wait3A_352 = tpu.memref_squeeze %dma_wait3A_351 : memref<1x125xi32, #tpu.memory_space<vmem>> -> memref<125xi32, #tpu.memory_space<vmem>>
      %dma_wait3A_353 = arith.constant 0 : i32
      %dma_wait3A_354 = arith.constant 0 : i32
      %dma_wait3A_355 = tpu.memref_slice %arg2[%dma_wait3A_353, %dma_wait3A_354] : memref<10000x64xf32, #tpu.memory_space<hbm>> -> memref<10000x64xf32, #tpu.memory_space<hbm>>
      tpu.wait_indirect_dma semaphore(%arg24 : memref<!tpu.dma_semaphore, #tpu.memory_space<semaphore_mem>>) src(%dma_wait3A_355 : memref<10000x64xf32, #tpu.memory_space<hbm>>) dst(%arg14 : memref<125x64xf32, #tpu.memory_space<vmem>>)
      %dma_start3A_356 = arith.constant 0 : i32
      %dma_start3A_357 = tpu.memref_slice %arg6[%add3A_349, %dma_start3A_356] : memref<80x125xi32, #tpu.memory_space<vmem>> -> memref<1x125xi32, #tpu.memory_space<vmem>>
      %dma_start3A_358 = tpu.memref_squeeze %dma_start3A_357 : memref<1x125xi32, #tpu.memory_space<vmem>> -> memref<125xi32, #tpu.memory_space<vmem>>
      %dma_start3A_359 = arith.constant 0 : i32
      %dma_start3A_360 = arith.constant 0 : i32
      %dma_start3A_361 = tpu.memref_slice %arg16[%dma_start3A_359, %dma_start3A_360] : memref<10112x64xf32, #tpu.memory_space<vmem_shared>> -> memref<10112x64xf32, #tpu.memory_space<vmem_shared>>
      tpu.enqueue_indirect_dma source(%arg14 : memref<125x64xf32, #tpu.memory_space<vmem>>) target(%dma_start3A_361 : memref<10112x64xf32, #tpu.memory_space<vmem_shared>>) offsets(%dma_start3A_358 : memref<125xi32, #tpu.memory_space<vmem>>) semaphore(%arg32 : memref<!tpu.dma_semaphore, #tpu.memory_space<semaphore_mem>>) {add = true}
      %sub3A_362 = arith.constant 4 : i32
      %sub3A_363 = arith.subi %add3A_349, %sub3A_362 : i32
      %dma_wait3A_364 = arith.constant 0 : i32
      %dma_wait3A_365 = tpu.memref_slice %arg6[%sub3A_363, %dma_wait3A_364] : memref<80x125xi32, #tpu.memory_space<vmem>> -> memref<1x125xi32, #tpu.memory_space<vmem>>
      %dma_wait3A_366 = tpu.memref_squeeze %dma_wait3A_365 : memref<1x125xi32, #tpu.memory_space<vmem>> -> memref<125xi32, #tpu.memory_space<vmem>>
      %dma_wait3A_367 = arith.constant 0 : i32
      %dma_wait3A_368 = arith.constant 0 : i32
      %dma_wait3A_369 = tpu.memref_slice %arg16[%dma_wait3A_367, %dma_wait3A_368] : memref<10112x64xf32, #tpu.memory_space<vmem_shared>> -> memref<10112x64xf32, #tpu.memory_space<vmem_shared>>
      tpu.wait_indirect_dma semaphore(%arg28 : memref<!tpu.dma_semaphore, #tpu.memory_space<semaphore_mem>>) src(%arg10 : memref<125x64xf32, #tpu.memory_space<vmem>>) dst(%dma_wait3A_369 : memref<10112x64xf32, #tpu.memory_space<vmem_shared>>)
      %add3A_370 = arith.constant 4 : i32
      %add3A_371 = arith.addi %add3A_349, %add3A_370 : i32
      %dma_start3A_372 = arith.constant 0 : i32
      %dma_start3A_373 = tpu.memref_slice %arg5[%add3A_371, %dma_start3A_372] : memref<80x125xi32, #tpu.memory_space<vmem>> -> memref<1x125xi32, #tpu.memory_space<vmem>>
      %dma_start3A_374 = tpu.memref_squeeze %dma_start3A_373 : memref<1x125xi32, #tpu.memory_space<vmem>> -> memref<125xi32, #tpu.memory_space<vmem>>
      %dma_start3A_375 = arith.constant 0 : i32
      %dma_start3A_376 = arith.constant 0 : i32
      %dma_start3A_377 = tpu.memref_slice %arg2[%dma_start3A_375, %dma_start3A_376] : memref<10000x64xf32, #tpu.memory_space<hbm>> -> memref<10000x64xf32, #tpu.memory_space<hbm>>
      tpu.enqueue_indirect_dma source(%dma_start3A_377 : memref<10000x64xf32, #tpu.memory_space<hbm>>) target(%arg10 : memref<125x64xf32, #tpu.memory_space<vmem>>) offsets(%dma_start3A_374 : memref<125xi32, #tpu.memory_space<vmem>>) semaphore(%arg20 : memref<!tpu.dma_semaphore, #tpu.memory_space<semaphore_mem>>)
      %add3A_378 = arith.constant 4 : i32
      %add3A_379 = arith.addi %add3A_257, %add3A_378 : i32
      %dma_wait3A_380 = arith.constant 0 : i32
      %dma_wait3A_381 = tpu.memref_slice %arg5[%add3A_379, %dma_wait3A_380] : memref<80x125xi32, #tpu.memory_space<vmem>> -> memref<1x125xi32, #tpu.memory_space<vmem>>
      %dma_wait3A_382 = tpu.memref_squeeze %dma_wait3A_381 : memref<1x125xi32, #tpu.memory_space<vmem>> -> memref<125xi32, #tpu.memory_space<vmem>>
      %dma_wait3A_383 = arith.constant 0 : i32
      %dma_wait3A_384 = arith.constant 0 : i32
      %dma_wait3A_385 = tpu.memref_slice %arg2[%dma_wait3A_383, %dma_wait3A_384] : memref<10000x64xf32, #tpu.memory_space<hbm>> -> memref<10000x64xf32, #tpu.memory_space<hbm>>
      tpu.wait_indirect_dma semaphore(%arg17 : memref<!tpu.dma_semaphore, #tpu.memory_space<semaphore_mem>>) src(%dma_wait3A_385 : memref<10000x64xf32, #tpu.memory_space<hbm>>) dst(%arg7 : memref<125x64xf32, #tpu.memory_space<vmem>>)
      %dma_start3A_386 = arith.constant 0 : i32
      %dma_start3A_387 = tpu.memref_slice %arg6[%add3A_379, %dma_start3A_386] : memref<80x125xi32, #tpu.memory_space<vmem>> -> memref<1x125xi32, #tpu.memory_space<vmem>>
      %dma_start3A_388 = tpu.memref_squeeze %dma_start3A_387 : memref<1x125xi32, #tpu.memory_space<vmem>> -> memref<125xi32, #tpu.memory_space<vmem>>
      %dma_start3A_389 = arith.constant 0 : i32
      %dma_start3A_390 = arith.constant 0 : i32
      %dma_start3A_391 = tpu.memref_slice %arg16[%dma_start3A_389, %dma_start3A_390] : memref<10112x64xf32, #tpu.memory_space<vmem_shared>> -> memref<10112x64xf32, #tpu.memory_space<vmem_shared>>
      tpu.enqueue_indirect_dma source(%arg7 : memref<125x64xf32, #tpu.memory_space<vmem>>) target(%dma_start3A_391 : memref<10112x64xf32, #tpu.memory_space<vmem_shared>>) offsets(%dma_start3A_388 : memref<125xi32, #tpu.memory_space<vmem>>) semaphore(%arg25 : memref<!tpu.dma_semaphore, #tpu.memory_space<semaphore_mem>>) {add = true}
      %sub3A_392 = arith.constant 4 : i32
      %sub3A_393 = arith.subi %add3A_379, %sub3A_392 : i32
      %dma_wait3A_394 = arith.constant 0 : i32
      %dma_wait3A_395 = tpu.memref_slice %arg6[%sub3A_393, %dma_wait3A_394] : memref<80x125xi32, #tpu.memory_space<vmem>> -> memref<1x125xi32, #tpu.memory_space<vmem>>
      %dma_wait3A_396 = tpu.memref_squeeze %dma_wait3A_395 : memref<1x125xi32, #tpu.memory_space<vmem>> -> memref<125xi32, #tpu.memory_space<vmem>>
      %dma_wait3A_397 = arith.constant 0 : i32
      %dma_wait3A_398 = arith.constant 0 : i32
      %dma_wait3A_399 = tpu.memref_slice %arg16[%dma_wait3A_397, %dma_wait3A_398] : memref<10112x64xf32, #tpu.memory_space<vmem_shared>> -> memref<10112x64xf32, #tpu.memory_space<vmem_shared>>
      tpu.wait_indirect_dma semaphore(%arg29 : memref<!tpu.dma_semaphore, #tpu.memory_space<semaphore_mem>>) src(%arg11 : memref<125x64xf32, #tpu.memory_space<vmem>>) dst(%dma_wait3A_399 : memref<10112x64xf32, #tpu.memory_space<vmem_shared>>)
      %add3A_400 = arith.constant 4 : i32
      %add3A_401 = arith.addi %add3A_379, %add3A_400 : i32
      %dma_start3A_402 = arith.constant 0 : i32
      %dma_start3A_403 = tpu.memref_slice %arg5[%add3A_401, %dma_start3A_402] : memref<80x125xi32, #tpu.memory_space<vmem>> -> memref<1x125xi32, #tpu.memory_space<vmem>>
      %dma_start3A_404 = tpu.memref_squeeze %dma_start3A_403 : memref<1x125xi32, #tpu.memory_space<vmem>> -> memref<125xi32, #tpu.memory_space<vmem>>
      %dma_start3A_405 = arith.constant 0 : i32
      %dma_start3A_406 = arith.constant 0 : i32
      %dma_start3A_407 = tpu.memref_slice %arg2[%dma_start3A_405, %dma_start3A_406] : memref<10000x64xf32, #tpu.memory_space<hbm>> -> memref<10000x64xf32, #tpu.memory_space<hbm>>
      tpu.enqueue_indirect_dma source(%dma_start3A_407 : memref<10000x64xf32, #tpu.memory_space<hbm>>) target(%arg11 : memref<125x64xf32, #tpu.memory_space<vmem>>) offsets(%dma_start3A_404 : memref<125xi32, #tpu.memory_space<vmem>>) semaphore(%arg21 : memref<!tpu.dma_semaphore, #tpu.memory_space<semaphore_mem>>)
      %add3A_408 = arith.constant 5 : i32
      %add3A_409 = arith.addi %add3A_257, %add3A_408 : i32
      %dma_wait3A_410 = arith.constant 0 : i32
      %dma_wait3A_411 = tpu.memref_slice %arg5[%add3A_409, %dma_wait3A_410] : memref<80x125xi32, #tpu.memory_space<vmem>> -> memref<1x125xi32, #tpu.memory_space<vmem>>
      %dma_wait3A_412 = tpu.memref_squeeze %dma_wait3A_411 : memref<1x125xi32, #tpu.memory_space<vmem>> -> memref<125xi32, #tpu.memory_space<vmem>>
      %dma_wait3A_413 = arith.constant 0 : i32
      %dma_wait3A_414 = arith.constant 0 : i32
      %dma_wait3A_415 = tpu.memref_slice %arg2[%dma_wait3A_413, %dma_wait3A_414] : memref<10000x64xf32, #tpu.memory_space<hbm>> -> memref<10000x64xf32, #tpu.memory_space<hbm>>
      tpu.wait_indirect_dma semaphore(%arg18 : memref<!tpu.dma_semaphore, #tpu.memory_space<semaphore_mem>>) src(%dma_wait3A_415 : memref<10000x64xf32, #tpu.memory_space<hbm>>) dst(%arg8 : memref<125x64xf32, #tpu.memory_space<vmem>>)
      %dma_start3A_416 = arith.constant 0 : i32
      %dma_start3A_417 = tpu.memref_slice %arg6[%add3A_409, %dma_start3A_416] : memref<80x125xi32, #tpu.memory_space<vmem>> -> memref<1x125xi32, #tpu.memory_space<vmem>>
      %dma_start3A_418 = tpu.memref_squeeze %dma_start3A_417 : memref<1x125xi32, #tpu.memory_space<vmem>> -> memref<125xi32, #tpu.memory_space<vmem>>
      %dma_start3A_419 = arith.constant 0 : i32
      %dma_start3A_420 = arith.constant 0 : i32
      %dma_start3A_421 = tpu.memref_slice %arg16[%dma_start3A_419, %dma_start3A_420] : memref<10112x64xf32, #tpu.memory_space<vmem_shared>> -> memref<10112x64xf32, #tpu.memory_space<vmem_shared>>
      tpu.enqueue_indirect_dma source(%arg8 : memref<125x64xf32, #tpu.memory_space<vmem>>) target(%dma_start3A_421 : memref<10112x64xf32, #tpu.memory_space<vmem_shared>>) offsets(%dma_start3A_418 : memref<125xi32, #tpu.memory_space<vmem>>) semaphore(%arg26 : memref<!tpu.dma_semaphore, #tpu.memory_space<semaphore_mem>>) {add = true}
      %sub3A_422 = arith.constant 4 : i32
      %sub3A_423 = arith.subi %add3A_409, %sub3A_422 : i32
      %dma_wait3A_424 = arith.constant 0 : i32
      %dma_wait3A_425 = tpu.memref_slice %arg6[%sub3A_423, %dma_wait3A_424] : memref<80x125xi32, #tpu.memory_space<vmem>> -> memref<1x125xi32, #tpu.memory_space<vmem>>
      %dma_wait3A_426 = tpu.memref_squeeze %dma_wait3A_425 : memref<1x125xi32, #tpu.memory_space<vmem>> -> memref<125xi32, #tpu.memory_space<vmem>>
      %dma_wait3A_427 = arith.constant 0 : i32
      %dma_wait3A_428 = arith.constant 0 : i32
      %dma_wait3A_429 = tpu.memref_slice %arg16[%dma_wait3A_427, %dma_wait3A_428] : memref<10112x64xf32, #tpu.memory_space<vmem_shared>> -> memref<10112x64xf32, #tpu.memory_space<vmem_shared>>
      tpu.wait_indirect_dma semaphore(%arg30 : memref<!tpu.dma_semaphore, #tpu.memory_space<semaphore_mem>>) src(%arg12 : memref<125x64xf32, #tpu.memory_space<vmem>>) dst(%dma_wait3A_429 : memref<10112x64xf32, #tpu.memory_space<vmem_shared>>)
      %add3A_430 = arith.constant 4 : i32
      %add3A_431 = arith.addi %add3A_409, %add3A_430 : i32
      %dma_start3A_432 = arith.constant 0 : i32
      %dma_start3A_433 = tpu.memref_slice %arg5[%add3A_431, %dma_start3A_432] : memref<80x125xi32, #tpu.memory_space<vmem>> -> memref<1x125xi32, #tpu.memory_space<vmem>>
      %dma_start3A_434 = tpu.memref_squeeze %dma_start3A_433 : memref<1x125xi32, #tpu.memory_space<vmem>> -> memref<125xi32, #tpu.memory_space<vmem>>
      %dma_start3A_435 = arith.constant 0 : i32
      %dma_start3A_436 = arith.constant 0 : i32
      %dma_start3A_437 = tpu.memref_slice %arg2[%dma_start3A_435, %dma_start3A_436] : memref<10000x64xf32, #tpu.memory_space<hbm>> -> memref<10000x64xf32, #tpu.memory_space<hbm>>
      tpu.enqueue_indirect_dma source(%dma_start3A_437 : memref<10000x64xf32, #tpu.memory_space<hbm>>) target(%arg12 : memref<125x64xf32, #tpu.memory_space<vmem>>) offsets(%dma_start3A_434 : memref<125xi32, #tpu.memory_space<vmem>>) semaphore(%arg22 : memref<!tpu.dma_semaphore, #tpu.memory_space<semaphore_mem>>)
      %add3A_438 = arith.constant 6 : i32
      %add3A_439 = arith.addi %add3A_257, %add3A_438 : i32
      %dma_wait3A_440 = arith.constant 0 : i32
      %dma_wait3A_441 = tpu.memref_slice %arg5[%add3A_439, %dma_wait3A_440] : memref<80x125xi32, #tpu.memory_space<vmem>> -> memref<1x125xi32, #tpu.memory_space<vmem>>
      %dma_wait3A_442 = tpu.memref_squeeze %dma_wait3A_441 : memref<1x125xi32, #tpu.memory_space<vmem>> -> memref<125xi32, #tpu.memory_space<vmem>>
      %dma_wait3A_443 = arith.constant 0 : i32
      %dma_wait3A_444 = arith.constant 0 : i32
      %dma_wait3A_445 = tpu.memref_slice %arg2[%dma_wait3A_443, %dma_wait3A_444] : memref<10000x64xf32, #tpu.memory_space<hbm>> -> memref<10000x64xf32, #tpu.memory_space<hbm>>
      tpu.wait_indirect_dma semaphore(%arg19 : memref<!tpu.dma_semaphore, #tpu.memory_space<semaphore_mem>>) src(%dma_wait3A_445 : memref<10000x64xf32, #tpu.memory_space<hbm>>) dst(%arg9 : memref<125x64xf32, #tpu.memory_space<vmem>>)
      %dma_start3A_446 = arith.constant 0 : i32
      %dma_start3A_447 = tpu.memref_slice %arg6[%add3A_439, %dma_start3A_446] : memref<80x125xi32, #tpu.memory_space<vmem>> -> memref<1x125xi32, #tpu.memory_space<vmem>>
      %dma_start3A_448 = tpu.memref_squeeze %dma_start3A_447 : memref<1x125xi32, #tpu.memory_space<vmem>> -> memref<125xi32, #tpu.memory_space<vmem>>
      %dma_start3A_449 = arith.constant 0 : i32
      %dma_start3A_450 = arith.constant 0 : i32
      %dma_start3A_451 = tpu.memref_slice %arg16[%dma_start3A_449, %dma_start3A_450] : memref<10112x64xf32, #tpu.memory_space<vmem_shared>> -> memref<10112x64xf32, #tpu.memory_space<vmem_shared>>
      tpu.enqueue_indirect_dma source(%arg9 : memref<125x64xf32, #tpu.memory_space<vmem>>) target(%dma_start3A_451 : memref<10112x64xf32, #tpu.memory_space<vmem_shared>>) offsets(%dma_start3A_448 : memref<125xi32, #tpu.memory_space<vmem>>) semaphore(%arg27 : memref<!tpu.dma_semaphore, #tpu.memory_space<semaphore_mem>>) {add = true}
      %sub3A_452 = arith.constant 4 : i32
      %sub3A_453 = arith.subi %add3A_439, %sub3A_452 : i32
      %dma_wait3A_454 = arith.constant 0 : i32
      %dma_wait3A_455 = tpu.memref_slice %arg6[%sub3A_453, %dma_wait3A_454] : memref<80x125xi32, #tpu.memory_space<vmem>> -> memref<1x125xi32, #tpu.memory_space<vmem>>
      %dma_wait3A_456 = tpu.memref_squeeze %dma_wait3A_455 : memref<1x125xi32, #tpu.memory_space<vmem>> -> memref<125xi32, #tpu.memory_space<vmem>>
      %dma_wait3A_457 = arith.constant 0 : i32
      %dma_wait3A_458 = arith.constant 0 : i32
      %dma_wait3A_459 = tpu.memref_slice %arg16[%dma_wait3A_457, %dma_wait3A_458] : memref<10112x64xf32, #tpu.memory_space<vmem_shared>> -> memref<10112x64xf32, #tpu.memory_space<vmem_shared>>
      tpu.wait_indirect_dma semaphore(%arg31 : memref<!tpu.dma_semaphore, #tpu.memory_space<semaphore_mem>>) src(%arg13 : memref<125x64xf32, #tpu.memory_space<vmem>>) dst(%dma_wait3A_459 : memref<10112x64xf32, #tpu.memory_space<vmem_shared>>)
      %add3A_460 = arith.constant 4 : i32
      %add3A_461 = arith.addi %add3A_439, %add3A_460 : i32
      %dma_start3A_462 = arith.constant 0 : i32
      %dma_start3A_463 = tpu.memref_slice %arg5[%add3A_461, %dma_start3A_462] : memref<80x125xi32, #tpu.memory_space<vmem>> -> memref<1x125xi32, #tpu.memory_space<vmem>>
      %dma_start3A_464 = tpu.memref_squeeze %dma_start3A_463 : memref<1x125xi32, #tpu.memory_space<vmem>> -> memref<125xi32, #tpu.memory_space<vmem>>
      %dma_start3A_465 = arith.constant 0 : i32
      %dma_start3A_466 = arith.constant 0 : i32
      %dma_start3A_467 = tpu.memref_slice %arg2[%dma_start3A_465, %dma_start3A_466] : memref<10000x64xf32, #tpu.memory_space<hbm>> -> memref<10000x64xf32, #tpu.memory_space<hbm>>
      tpu.enqueue_indirect_dma source(%dma_start3A_467 : memref<10000x64xf32, #tpu.memory_space<hbm>>) target(%arg13 : memref<125x64xf32, #tpu.memory_space<vmem>>) offsets(%dma_start3A_464 : memref<125xi32, #tpu.memory_space<vmem>>) semaphore(%arg23 : memref<!tpu.dma_semaphore, #tpu.memory_space<semaphore_mem>>)
      %add3A_468 = arith.constant 7 : i32
      %add3A_469 = arith.addi %add3A_257, %add3A_468 : i32
      %dma_wait3A_470 = arith.constant 0 : i32
      %dma_wait3A_471 = tpu.memref_slice %arg5[%add3A_469, %dma_wait3A_470] : memref<80x125xi32, #tpu.memory_space<vmem>> -> memref<1x125xi32, #tpu.memory_space<vmem>>
      %dma_wait3A_472 = tpu.memref_squeeze %dma_wait3A_471 : memref<1x125xi32, #tpu.memory_space<vmem>> -> memref<125xi32, #tpu.memory_space<vmem>>
      %dma_wait3A_473 = arith.constant 0 : i32
      %dma_wait3A_474 = arith.constant 0 : i32
      %dma_wait3A_475 = tpu.memref_slice %arg2[%dma_wait3A_473, %dma_wait3A_474] : memref<10000x64xf32, #tpu.memory_space<hbm>> -> memref<10000x64xf32, #tpu.memory_space<hbm>>
      tpu.wait_indirect_dma semaphore(%arg20 : memref<!tpu.dma_semaphore, #tpu.memory_space<semaphore_mem>>) src(%dma_wait3A_475 : memref<10000x64xf32, #tpu.memory_space<hbm>>) dst(%arg10 : memref<125x64xf32, #tpu.memory_space<vmem>>)
      %dma_start3A_476 = arith.constant 0 : i32
      %dma_start3A_477 = tpu.memref_slice %arg6[%add3A_469, %dma_start3A_476] : memref<80x125xi32, #tpu.memory_space<vmem>> -> memref<1x125xi32, #tpu.memory_space<vmem>>
      %dma_start3A_478 = tpu.memref_squeeze %dma_start3A_477 : memref<1x125xi32, #tpu.memory_space<vmem>> -> memref<125xi32, #tpu.memory_space<vmem>>
      %dma_start3A_479 = arith.constant 0 : i32
      %dma_start3A_480 = arith.constant 0 : i32
      %dma_start3A_481 = tpu.memref_slice %arg16[%dma_start3A_479, %dma_start3A_480] : memref<10112x64xf32, #tpu.memory_space<vmem_shared>> -> memref<10112x64xf32, #tpu.memory_space<vmem_shared>>
      tpu.enqueue_indirect_dma source(%arg10 : memref<125x64xf32, #tpu.memory_space<vmem>>) target(%dma_start3A_481 : memref<10112x64xf32, #tpu.memory_space<vmem_shared>>) offsets(%dma_start3A_478 : memref<125xi32, #tpu.memory_space<vmem>>) semaphore(%arg28 : memref<!tpu.dma_semaphore, #tpu.memory_space<semaphore_mem>>) {add = true}
      %sub3A_482 = arith.constant 4 : i32
      %sub3A_483 = arith.subi %add3A_469, %sub3A_482 : i32
      %dma_wait3A_484 = arith.constant 0 : i32
      %dma_wait3A_485 = tpu.memref_slice %arg6[%sub3A_483, %dma_wait3A_484] : memref<80x125xi32, #tpu.memory_space<vmem>> -> memref<1x125xi32, #tpu.memory_space<vmem>>
      %dma_wait3A_486 = tpu.memref_squeeze %dma_wait3A_485 : memref<1x125xi32, #tpu.memory_space<vmem>> -> memref<125xi32, #tpu.memory_space<vmem>>
      %dma_wait3A_487 = arith.constant 0 : i32
      %dma_wait3A_488 = arith.constant 0 : i32
      %dma_wait3A_489 = tpu.memref_slice %arg16[%dma_wait3A_487, %dma_wait3A_488] : memref<10112x64xf32, #tpu.memory_space<vmem_shared>> -> memref<10112x64xf32, #tpu.memory_space<vmem_shared>>
      tpu.wait_indirect_dma semaphore(%arg32 : memref<!tpu.dma_semaphore, #tpu.memory_space<semaphore_mem>>) src(%arg14 : memref<125x64xf32, #tpu.memory_space<vmem>>) dst(%dma_wait3A_489 : memref<10112x64xf32, #tpu.memory_space<vmem_shared>>)
      %add3A_490 = arith.constant 4 : i32
      %add3A_491 = arith.addi %add3A_469, %add3A_490 : i32
      %dma_start3A_492 = arith.constant 0 : i32
      %dma_start3A_493 = tpu.memref_slice %arg5[%add3A_491, %dma_start3A_492] : memref<80x125xi32, #tpu.memory_space<vmem>> -> memref<1x125xi32, #tpu.memory_space<vmem>>
      %dma_start3A_494 = tpu.memref_squeeze %dma_start3A_493 : memref<1x125xi32, #tpu.memory_space<vmem>> -> memref<125xi32, #tpu.memory_space<vmem>>
      %dma_start3A_495 = arith.constant 0 : i32
      %dma_start3A_496 = arith.constant 0 : i32
      %dma_start3A_497 = tpu.memref_slice %arg2[%dma_start3A_495, %dma_start3A_496] : memref<10000x64xf32, #tpu.memory_space<hbm>> -> memref<10000x64xf32, #tpu.memory_space<hbm>>
      tpu.enqueue_indirect_dma source(%dma_start3A_497 : memref<10000x64xf32, #tpu.memory_space<hbm>>) target(%arg14 : memref<125x64xf32, #tpu.memory_space<vmem>>) offsets(%dma_start3A_494 : memref<125xi32, #tpu.memory_space<vmem>>) semaphore(%arg24 : memref<!tpu.dma_semaphore, #tpu.memory_space<semaphore_mem>>)
    }
    %scan3A_139 = arith.constant 9 : i32
    %dma_wait3A_140 = arith.constant 76 : i32
    %dma_wait3A_141 = arith.constant 0 : i32
    %dma_wait3A_142 = tpu.memref_slice %arg5[%dma_wait3A_140, %dma_wait3A_141] : memref<80x125xi32, #tpu.memory_space<vmem>> -> memref<1x125xi32, #tpu.memory_space<vmem>>
    %dma_wait3A_143 = tpu.memref_squeeze %dma_wait3A_142 : memref<1x125xi32, #tpu.memory_space<vmem>> -> memref<125xi32, #tpu.memory_space<vmem>>
    %dma_wait3A_144 = arith.constant 0 : i32
    %dma_wait3A_145 = arith.constant 0 : i32
    %dma_wait3A_146 = tpu.memref_slice %arg2[%dma_wait3A_144, %dma_wait3A_145] : memref<10000x64xf32, #tpu.memory_space<hbm>> -> memref<10000x64xf32, #tpu.memory_space<hbm>>
    tpu.wait_indirect_dma semaphore(%arg21 : memref<!tpu.dma_semaphore, #tpu.memory_space<semaphore_mem>>) src(%dma_wait3A_146 : memref<10000x64xf32, #tpu.memory_space<hbm>>) dst(%arg11 : memref<125x64xf32, #tpu.memory_space<vmem>>)
    %dma_start3A_147 = arith.constant 76 : i32
    %dma_start3A_148 = arith.constant 0 : i32
    %dma_start3A_149 = tpu.memref_slice %arg6[%dma_start3A_147, %dma_start3A_148] : memref<80x125xi32, #tpu.memory_space<vmem>> -> memref<1x125xi32, #tpu.memory_space<vmem>>
    %dma_start3A_150 = tpu.memref_squeeze %dma_start3A_149 : memref<1x125xi32, #tpu.memory_space<vmem>> -> memref<125xi32, #tpu.memory_space<vmem>>
    %dma_start3A_151 = arith.constant 0 : i32
    %dma_start3A_152 = arith.constant 0 : i32
    %dma_start3A_153 = tpu.memref_slice %arg16[%dma_start3A_151, %dma_start3A_152] : memref<10112x64xf32, #tpu.memory_space<vmem_shared>> -> memref<10112x64xf32, #tpu.memory_space<vmem_shared>>
    tpu.enqueue_indirect_dma source(%arg11 : memref<125x64xf32, #tpu.memory_space<vmem>>) target(%dma_start3A_153 : memref<10112x64xf32, #tpu.memory_space<vmem_shared>>) offsets(%dma_start3A_150 : memref<125xi32, #tpu.memory_space<vmem>>) semaphore(%arg29 : memref<!tpu.dma_semaphore, #tpu.memory_space<semaphore_mem>>) {add = true}
    %dma_wait3A_154 = arith.constant 72 : i32
    %dma_wait3A_155 = arith.constant 0 : i32
    %dma_wait3A_156 = tpu.memref_slice %arg6[%dma_wait3A_154, %dma_wait3A_155] : memref<80x125xi32, #tpu.memory_space<vmem>> -> memref<1x125xi32, #tpu.memory_space<vmem>>
    %dma_wait3A_157 = tpu.memref_squeeze %dma_wait3A_156 : memref<1x125xi32, #tpu.memory_space<vmem>> -> memref<125xi32, #tpu.memory_space<vmem>>
    %dma_wait3A_158 = arith.constant 0 : i32
    %dma_wait3A_159 = arith.constant 0 : i32
    %dma_wait3A_160 = tpu.memref_slice %arg16[%dma_wait3A_158, %dma_wait3A_159] : memref<10112x64xf32, #tpu.memory_space<vmem_shared>> -> memref<10112x64xf32, #tpu.memory_space<vmem_shared>>
    tpu.wait_indirect_dma semaphore(%arg25 : memref<!tpu.dma_semaphore, #tpu.memory_space<semaphore_mem>>) src(%arg7 : memref<125x64xf32, #tpu.memory_space<vmem>>) dst(%dma_wait3A_160 : memref<10112x64xf32, #tpu.memory_space<vmem_shared>>)
    %dma_wait3A_161 = arith.constant 77 : i32
    %dma_wait3A_162 = arith.constant 0 : i32
    %dma_wait3A_163 = tpu.memref_slice %arg5[%dma_wait3A_161, %dma_wait3A_162] : memref<80x125xi32, #tpu.memory_space<vmem>> -> memref<1x125xi32, #tpu.memory_space<vmem>>
    %dma_wait3A_164 = tpu.memref_squeeze %dma_wait3A_163 : memref<1x125xi32, #tpu.memory_space<vmem>> -> memref<125xi32, #tpu.memory_space<vmem>>
    %dma_wait3A_165 = arith.constant 0 : i32
    %dma_wait3A_166 = arith.constant 0 : i32
    %dma_wait3A_167 = tpu.memref_slice %arg2[%dma_wait3A_165, %dma_wait3A_166] : memref<10000x64xf32, #tpu.memory_space<hbm>> -> memref<10000x64xf32, #tpu.memory_space<hbm>>
    tpu.wait_indirect_dma semaphore(%arg22 : memref<!tpu.dma_semaphore, #tpu.memory_space<semaphore_mem>>) src(%dma_wait3A_167 : memref<10000x64xf32, #tpu.memory_space<hbm>>) dst(%arg12 : memref<125x64xf32, #tpu.memory_space<vmem>>)
    %dma_start3A_168 = arith.constant 77 : i32
    %dma_start3A_169 = arith.constant 0 : i32
    %dma_start3A_170 = tpu.memref_slice %arg6[%dma_start3A_168, %dma_start3A_169] : memref<80x125xi32, #tpu.memory_space<vmem>> -> memref<1x125xi32, #tpu.memory_space<vmem>>
    %dma_start3A_171 = tpu.memref_squeeze %dma_start3A_170 : memref<1x125xi32, #tpu.memory_space<vmem>> -> memref<125xi32, #tpu.memory_space<vmem>>
    %dma_start3A_172 = arith.constant 0 : i32
    %dma_start3A_173 = arith.constant 0 : i32
    %dma_start3A_174 = tpu.memref_slice %arg16[%dma_start3A_172, %dma_start3A_173] : memref<10112x64xf32, #tpu.memory_space<vmem_shared>> -> memref<10112x64xf32, #tpu.memory_space<vmem_shared>>
    tpu.enqueue_indirect_dma source(%arg12 : memref<125x64xf32, #tpu.memory_space<vmem>>) target(%dma_start3A_174 : memref<10112x64xf32, #tpu.memory_space<vmem_shared>>) offsets(%dma_start3A_171 : memref<125xi32, #tpu.memory_space<vmem>>) semaphore(%arg30 : memref<!tpu.dma_semaphore, #tpu.memory_space<semaphore_mem>>) {add = true}
    %dma_wait3A_175 = arith.constant 73 : i32
    %dma_wait3A_176 = arith.constant 0 : i32
    %dma_wait3A_177 = tpu.memref_slice %arg6[%dma_wait3A_175, %dma_wait3A_176] : memref<80x125xi32, #tpu.memory_space<vmem>> -> memref<1x125xi32, #tpu.memory_space<vmem>>
    %dma_wait3A_178 = tpu.memref_squeeze %dma_wait3A_177 : memref<1x125xi32, #tpu.memory_space<vmem>> -> memref<125xi32, #tpu.memory_space<vmem>>
    %dma_wait3A_179 = arith.constant 0 : i32
    %dma_wait3A_180 = arith.constant 0 : i32
    %dma_wait3A_181 = tpu.memref_slice %arg16[%dma_wait3A_179, %dma_wait3A_180] : memref<10112x64xf32, #tpu.memory_space<vmem_shared>> -> memref<10112x64xf32, #tpu.memory_space<vmem_shared>>
    tpu.wait_indirect_dma semaphore(%arg26 : memref<!tpu.dma_semaphore, #tpu.memory_space<semaphore_mem>>) src(%arg8 : memref<125x64xf32, #tpu.memory_space<vmem>>) dst(%dma_wait3A_181 : memref<10112x64xf32, #tpu.memory_space<vmem_shared>>)
    %dma_wait3A_182 = arith.constant 78 : i32
    %dma_wait3A_183 = arith.constant 0 : i32
    %dma_wait3A_184 = tpu.memref_slice %arg5[%dma_wait3A_182, %dma_wait3A_183] : memref<80x125xi32, #tpu.memory_space<vmem>> -> memref<1x125xi32, #tpu.memory_space<vmem>>
    %dma_wait3A_185 = tpu.memref_squeeze %dma_wait3A_184 : memref<1x125xi32, #tpu.memory_space<vmem>> -> memref<125xi32, #tpu.memory_space<vmem>>
    %dma_wait3A_186 = arith.constant 0 : i32
    %dma_wait3A_187 = arith.constant 0 : i32
    %dma_wait3A_188 = tpu.memref_slice %arg2[%dma_wait3A_186, %dma_wait3A_187] : memref<10000x64xf32, #tpu.memory_space<hbm>> -> memref<10000x64xf32, #tpu.memory_space<hbm>>
    tpu.wait_indirect_dma semaphore(%arg23 : memref<!tpu.dma_semaphore, #tpu.memory_space<semaphore_mem>>) src(%dma_wait3A_188 : memref<10000x64xf32, #tpu.memory_space<hbm>>) dst(%arg13 : memref<125x64xf32, #tpu.memory_space<vmem>>)
    %dma_start3A_189 = arith.constant 78 : i32
    %dma_start3A_190 = arith.constant 0 : i32
    %dma_start3A_191 = tpu.memref_slice %arg6[%dma_start3A_189, %dma_start3A_190] : memref<80x125xi32, #tpu.memory_space<vmem>> -> memref<1x125xi32, #tpu.memory_space<vmem>>
    %dma_start3A_192 = tpu.memref_squeeze %dma_start3A_191 : memref<1x125xi32, #tpu.memory_space<vmem>> -> memref<125xi32, #tpu.memory_space<vmem>>
    %dma_start3A_193 = arith.constant 0 : i32
    %dma_start3A_194 = arith.constant 0 : i32
    %dma_start3A_195 = tpu.memref_slice %arg16[%dma_start3A_193, %dma_start3A_194] : memref<10112x64xf32, #tpu.memory_space<vmem_shared>> -> memref<10112x64xf32, #tpu.memory_space<vmem_shared>>
    tpu.enqueue_indirect_dma source(%arg13 : memref<125x64xf32, #tpu.memory_space<vmem>>) target(%dma_start3A_195 : memref<10112x64xf32, #tpu.memory_space<vmem_shared>>) offsets(%dma_start3A_192 : memref<125xi32, #tpu.memory_space<vmem>>) semaphore(%arg31 : memref<!tpu.dma_semaphore, #tpu.memory_space<semaphore_mem>>) {add = true}
    %dma_wait3A_196 = arith.constant 74 : i32
    %dma_wait3A_197 = arith.constant 0 : i32
    %dma_wait3A_198 = tpu.memref_slice %arg6[%dma_wait3A_196, %dma_wait3A_197] : memref<80x125xi32, #tpu.memory_space<vmem>> -> memref<1x125xi32, #tpu.memory_space<vmem>>
    %dma_wait3A_199 = tpu.memref_squeeze %dma_wait3A_198 : memref<1x125xi32, #tpu.memory_space<vmem>> -> memref<125xi32, #tpu.memory_space<vmem>>
    %dma_wait3A_200 = arith.constant 0 : i32
    %dma_wait3A_201 = arith.constant 0 : i32
    %dma_wait3A_202 = tpu.memref_slice %arg16[%dma_wait3A_200, %dma_wait3A_201] : memref<10112x64xf32, #tpu.memory_space<vmem_shared>> -> memref<10112x64xf32, #tpu.memory_space<vmem_shared>>
    tpu.wait_indirect_dma semaphore(%arg27 : memref<!tpu.dma_semaphore, #tpu.memory_space<semaphore_mem>>) src(%arg9 : memref<125x64xf32, #tpu.memory_space<vmem>>) dst(%dma_wait3A_202 : memref<10112x64xf32, #tpu.memory_space<vmem_shared>>)
    %dma_wait3A_203 = arith.constant 79 : i32
    %dma_wait3A_204 = arith.constant 0 : i32
    %dma_wait3A_205 = tpu.memref_slice %arg5[%dma_wait3A_203, %dma_wait3A_204] : memref<80x125xi32, #tpu.memory_space<vmem>> -> memref<1x125xi32, #tpu.memory_space<vmem>>
    %dma_wait3A_206 = tpu.memref_squeeze %dma_wait3A_205 : memref<1x125xi32, #tpu.memory_space<vmem>> -> memref<125xi32, #tpu.memory_space<vmem>>
    %dma_wait3A_207 = arith.constant 0 : i32
    %dma_wait3A_208 = arith.constant 0 : i32
    %dma_wait3A_209 = tpu.memref_slice %arg2[%dma_wait3A_207, %dma_wait3A_208] : memref<10000x64xf32, #tpu.memory_space<hbm>> -> memref<10000x64xf32, #tpu.memory_space<hbm>>
    tpu.wait_indirect_dma semaphore(%arg24 : memref<!tpu.dma_semaphore, #tpu.memory_space<semaphore_mem>>) src(%dma_wait3A_209 : memref<10000x64xf32, #tpu.memory_space<hbm>>) dst(%arg14 : memref<125x64xf32, #tpu.memory_space<vmem>>)
    %dma_start3A_210 = arith.constant 79 : i32
    %dma_start3A_211 = arith.constant 0 : i32
    %dma_start3A_212 = tpu.memref_slice %arg6[%dma_start3A_210, %dma_start3A_211] : memref<80x125xi32, #tpu.memory_space<vmem>> -> memref<1x125xi32, #tpu.memory_space<vmem>>
    %dma_start3A_213 = tpu.memref_squeeze %dma_start3A_212 : memref<1x125xi32, #tpu.memory_space<vmem>> -> memref<125xi32, #tpu.memory_space<vmem>>
    %dma_start3A_214 = arith.constant 0 : i32
    %dma_start3A_215 = arith.constant 0 : i32
    %dma_start3A_216 = tpu.memref_slice %arg16[%dma_start3A_214, %dma_start3A_215] : memref<10112x64xf32, #tpu.memory_space<vmem_shared>> -> memref<10112x64xf32, #tpu.memory_space<vmem_shared>>
    tpu.enqueue_indirect_dma source(%arg14 : memref<125x64xf32, #tpu.memory_space<vmem>>) target(%dma_start3A_216 : memref<10112x64xf32, #tpu.memory_space<vmem_shared>>) offsets(%dma_start3A_213 : memref<125xi32, #tpu.memory_space<vmem>>) semaphore(%arg32 : memref<!tpu.dma_semaphore, #tpu.memory_space<semaphore_mem>>) {add = true}
    %dma_wait3A_217 = arith.constant 75 : i32
    %dma_wait3A_218 = arith.constant 0 : i32
    %dma_wait3A_219 = tpu.memref_slice %arg6[%dma_wait3A_217, %dma_wait3A_218] : memref<80x125xi32, #tpu.memory_space<vmem>> -> memref<1x125xi32, #tpu.memory_space<vmem>>
    %dma_wait3A_220 = tpu.memref_squeeze %dma_wait3A_219 : memref<1x125xi32, #tpu.memory_space<vmem>> -> memref<125xi32, #tpu.memory_space<vmem>>
    %dma_wait3A_221 = arith.constant 0 : i32
    %dma_wait3A_222 = arith.constant 0 : i32
    %dma_wait3A_223 = tpu.memref_slice %arg16[%dma_wait3A_221, %dma_wait3A_222] : memref<10112x64xf32, #tpu.memory_space<vmem_shared>> -> memref<10112x64xf32, #tpu.memory_space<vmem_shared>>
    tpu.wait_indirect_dma semaphore(%arg28 : memref<!tpu.dma_semaphore, #tpu.memory_space<semaphore_mem>>) src(%arg10 : memref<125x64xf32, #tpu.memory_space<vmem>>) dst(%dma_wait3A_223 : memref<10112x64xf32, #tpu.memory_space<vmem_shared>>)
    %dma_wait3A_224 = arith.constant 76 : i32
    %dma_wait3A_225 = arith.constant 0 : i32
    %dma_wait3A_226 = tpu.memref_slice %arg6[%dma_wait3A_224, %dma_wait3A_225] : memref<80x125xi32, #tpu.memory_space<vmem>> -> memref<1x125xi32, #tpu.memory_space<vmem>>
    %dma_wait3A_227 = tpu.memref_squeeze %dma_wait3A_226 : memref<1x125xi32, #tpu.memory_space<vmem>> -> memref<125xi32, #tpu.memory_space<vmem>>
    %dma_wait3A_228 = arith.constant 0 : i32
    %dma_wait3A_229 = arith.constant 0 : i32
    %dma_wait3A_230 = tpu.memref_slice %arg16[%dma_wait3A_228, %dma_wait3A_229] : memref<10112x64xf32, #tpu.memory_space<vmem_shared>> -> memref<10112x64xf32, #tpu.memory_space<vmem_shared>>
    tpu.wait_indirect_dma semaphore(%arg29 : memref<!tpu.dma_semaphore, #tpu.memory_space<semaphore_mem>>) src(%arg11 : memref<125x64xf32, #tpu.memory_space<vmem>>) dst(%dma_wait3A_230 : memref<10112x64xf32, #tpu.memory_space<vmem_shared>>)
    %dma_wait3A_231 = arith.constant 77 : i32
    %dma_wait3A_232 = arith.constant 0 : i32
    %dma_wait3A_233 = tpu.memref_slice %arg6[%dma_wait3A_231, %dma_wait3A_232] : memref<80x125xi32, #tpu.memory_space<vmem>> -> memref<1x125xi32, #tpu.memory_space<vmem>>
    %dma_wait3A_234 = tpu.memref_squeeze %dma_wait3A_233 : memref<1x125xi32, #tpu.memory_space<vmem>> -> memref<125xi32, #tpu.memory_space<vmem>>
    %dma_wait3A_235 = arith.constant 0 : i32
    %dma_wait3A_236 = arith.constant 0 : i32
    %dma_wait3A_237 = tpu.memref_slice %arg16[%dma_wait3A_235, %dma_wait3A_236] : memref<10112x64xf32, #tpu.memory_space<vmem_shared>> -> memref<10112x64xf32, #tpu.memory_space<vmem_shared>>
    tpu.wait_indirect_dma semaphore(%arg30 : memref<!tpu.dma_semaphore, #tpu.memory_space<semaphore_mem>>) src(%arg12 : memref<125x64xf32, #tpu.memory_space<vmem>>) dst(%dma_wait3A_237 : memref<10112x64xf32, #tpu.memory_space<vmem_shared>>)
    %dma_wait3A_238 = arith.constant 78 : i32
    %dma_wait3A_239 = arith.constant 0 : i32
    %dma_wait3A_240 = tpu.memref_slice %arg6[%dma_wait3A_238, %dma_wait3A_239] : memref<80x125xi32, #tpu.memory_space<vmem>> -> memref<1x125xi32, #tpu.memory_space<vmem>>
    %dma_wait3A_241 = tpu.memref_squeeze %dma_wait3A_240 : memref<1x125xi32, #tpu.memory_space<vmem>> -> memref<125xi32, #tpu.memory_space<vmem>>
    %dma_wait3A_242 = arith.constant 0 : i32
    %dma_wait3A_243 = arith.constant 0 : i32
    %dma_wait3A_244 = tpu.memref_slice %arg16[%dma_wait3A_242, %dma_wait3A_243] : memref<10112x64xf32, #tpu.memory_space<vmem_shared>> -> memref<10112x64xf32, #tpu.memory_space<vmem_shared>>
    tpu.wait_indirect_dma semaphore(%arg31 : memref<!tpu.dma_semaphore, #tpu.memory_space<semaphore_mem>>) src(%arg13 : memref<125x64xf32, #tpu.memory_space<vmem>>) dst(%dma_wait3A_244 : memref<10112x64xf32, #tpu.memory_space<vmem_shared>>)
    %dma_wait3A_245 = arith.constant 79 : i32
    %dma_wait3A_246 = arith.constant 0 : i32
    %dma_wait3A_247 = tpu.memref_slice %arg6[%dma_wait3A_245, %dma_wait3A_246] : memref<80x125xi32, #tpu.memory_space<vmem>> -> memref<1x125xi32, #tpu.memory_space<vmem>>
    %dma_wait3A_248 = tpu.memref_squeeze %dma_wait3A_247 : memref<1x125xi32, #tpu.memory_space<vmem>> -> memref<125xi32, #tpu.memory_space<vmem>>
    %dma_wait3A_249 = arith.constant 0 : i32
    %dma_wait3A_250 = arith.constant 0 : i32
    %dma_wait3A_251 = tpu.memref_slice %arg16[%dma_wait3A_249, %dma_wait3A_250] : memref<10112x64xf32, #tpu.memory_space<vmem_shared>> -> memref<10112x64xf32, #tpu.memory_space<vmem_shared>>
    tpu.wait_indirect_dma semaphore(%arg32 : memref<!tpu.dma_semaphore, #tpu.memory_space<semaphore_mem>>) src(%arg14 : memref<125x64xf32, #tpu.memory_space<vmem>>) dst(%dma_wait3A_251 : memref<10112x64xf32, #tpu.memory_space<vmem_shared>>)
    %barrier3A_252 = arith.constant 0 : index
    tpu.barrier barrier_id(%barrier3A_252)
    "tpu.region"() ({
      %run_scoped3A_253 = tpu.sem_alloc : memref<!tpu.dma_semaphore, #tpu.memory_space<semaphore_mem>>
      %dma_start3A_254 = arith.constant 0 : i32
      %dma_start3A_255 = tpu.memref_slice %arg4[%arg0, %mul3A_6, %dma_start3A_254] : memref<2x10112x64xf32, #tpu.memory_space<hbm>> -> memref<1x632x64xf32, #tpu.memory_space<hbm>>
      %dma_start3A_256 = tpu.memref_squeeze %dma_start3A_255 : memref<1x632x64xf32, #tpu.memory_space<hbm>> -> memref<632x64xf32, #tpu.memory_space<hbm>>
      %dma_start3A_257 = arith.constant 0 : i32
      %dma_start3A_258 = tpu.memref_slice %arg16[%mul3A_6, %dma_start3A_257] : memref<10112x64xf32, #tpu.memory_space<vmem_shared>> -> memref<632x64xf32, #tpu.memory_space<vmem_shared>>
      tpu.enqueue_dma source(%dma_start3A_258 : memref<632x64xf32, #tpu.memory_space<vmem_shared>>) target(%dma_start3A_256 : memref<632x64xf32, #tpu.memory_space<hbm>>) target_semaphore(%run_scoped3A_253 : memref<!tpu.dma_semaphore, #tpu.memory_space<semaphore_mem>>)
      %dma_wait3A_259 = arith.constant 0 : i32
      %dma_wait3A_260 = tpu.memref_slice %arg4[%arg0, %mul3A_6, %dma_wait3A_259] : memref<2x10112x64xf32, #tpu.memory_space<hbm>> -> memref<1x632x64xf32, #tpu.memory_space<hbm>>
      %dma_wait3A_261 = tpu.memref_squeeze %dma_wait3A_260 : memref<1x632x64xf32, #tpu.memory_space<hbm>> -> memref<632x64xf32, #tpu.memory_space<hbm>>
      %dma_wait3A_262 = arith.constant 0 : i32
      %dma_wait3A_263 = tpu.memref_slice %arg16[%mul3A_6, %dma_wait3A_262] : memref<10112x64xf32, #tpu.memory_space<vmem_shared>> -> memref<632x64xf32, #tpu.memory_space<vmem_shared>>
      tpu.wait_dma2 semaphore(%run_scoped3A_253 : memref<!tpu.dma_semaphore, #tpu.memory_space<semaphore_mem>>) src(%dma_wait3A_263 : memref<632x64xf32, #tpu.memory_space<vmem_shared>>) dst(%dma_wait3A_261 : memref<632x64xf32, #tpu.memory_space<hbm>>)
      tpu.yield
    }) : () -> ()
    return
  }
}

module attributes {stable_mosaic.version = 14 : i64} {
  func.func @_mm_body(%arg0: i32, %arg1: memref<2000x128xf32, #tpu.memory_space<vmem>>, %arg2: memref<128x64xf32, #tpu.memory_space<vmem>>, %arg3: memref<128x64xf32, #tpu.memory_space<vmem>>, %arg4: memref<2000x64xf32, #tpu.memory_space<vmem>>, %arg5: memref<2000x64xf32, #tpu.memory_space<vmem>>) attributes {dimension_semantics = [#tpu.dimension_semantics<arbitrary>], iteration_bounds = array<i64: 5>, scalar_prefetch = 0 : i64, scratch_operands = 0 : i64, tpu.core_type = #tpu.core_type<tc>, window_params = [{transform_indices = @transform_0, window_bounds = array<i64: 2000, 128>}, {pipeline_mode = #tpu.pipeline_mode<synchronous>, transform_indices = @transform_1, window_bounds = array<i64: 128, 64>}, {pipeline_mode = #tpu.pipeline_mode<synchronous>, transform_indices = @transform_2, window_bounds = array<i64: 128, 64>}, {transform_indices = @transform_3, window_bounds = array<i64: 2000, 64>}, {transform_indices = @transform_4, window_bounds = array<i64: 2000, 64>}]} {
    %get3A = arith.constant 0 : index
    %get3A_0 = arith.constant 0 : index
    %get3A_1 = vector.load %arg1[%get3A, %get3A_0] : memref<2000x128xf32, #tpu.memory_space<vmem>>, vector<2000x128xf32>
    %get3A_2 = arith.constant 0 : index
    %get3A_3 = arith.constant 0 : index
    %get3A_4 = vector.load %arg2[%get3A_2, %get3A_3] : memref<128x64xf32, #tpu.memory_space<vmem>>, vector<128x64xf32>
    %dot_general3A = arith.constant dense<0.000000e+00> : vector<2000x64xf32>
    %dot_general3A_5 = tpu.matmul %get3A_1, %get3A_4, %dot_general3A {dimension_numbers = #tpu.dot_dimension_numbers<[1], [0], [0], [1], [0, 0, 1, 1], [], []>, transpose_lhs_hint = false} : vector<2000x128xf32>, vector<128x64xf32>, vector<2000x64xf32> -> vector<2000x64xf32>
    %swap3A = arith.constant 0 : index
    %swap3A_6 = arith.constant 0 : index
    %swap3A_7 = vector.load %arg4[%swap3A, %swap3A_6] : memref<2000x64xf32, #tpu.memory_space<vmem>>, vector<2000x64xf32>
    tpu.vector_store %arg4[%swap3A, %swap3A_6], %dot_general3A_5 {strides = array<i32>} : memref<2000x64xf32, #tpu.memory_space<vmem>>, vector<2000x64xf32>,
    %get3A_8 = arith.constant 0 : index
    %get3A_9 = arith.constant 0 : index
    %get3A_10 = vector.load %arg3[%get3A_8, %get3A_9] : memref<128x64xf32, #tpu.memory_space<vmem>>, vector<128x64xf32>
    %dot_general3A_11 = arith.constant dense<0.000000e+00> : vector<2000x64xf32>
    %dot_general3A_12 = tpu.matmul %get3A_1, %get3A_10, %dot_general3A_11 {dimension_numbers = #tpu.dot_dimension_numbers<[1], [0], [0], [1], [0, 0, 1, 1], [], []>, transpose_lhs_hint = false} : vector<2000x128xf32>, vector<128x64xf32>, vector<2000x64xf32> -> vector<2000x64xf32>
    %swap3A_13 = arith.constant 0 : index
    %swap3A_14 = arith.constant 0 : index
    %swap3A_15 = vector.load %arg5[%swap3A_13, %swap3A_14] : memref<2000x64xf32, #tpu.memory_space<vmem>>, vector<2000x64xf32>
    tpu.vector_store %arg5[%swap3A_13, %swap3A_14], %dot_general3A_12 {strides = array<i32>} : memref<2000x64xf32, #tpu.memory_space<vmem>>, vector<2000x64xf32>,
    return
  }
  func.func @transform_0(%arg0: i32) -> (i32, i32) {
    %c0_i32 = arith.constant 0 : i32
    %c0_i32_0 = arith.constant 0 : i32
    return %arg0, %c0_i32 : i32, i32
  }
  func.func @transform_1(%arg0: i32) -> (i32, i32) {
    %c0_i32 = arith.constant 0 : i32
    %c0_i32_0 = arith.constant 0 : i32
    %c0_i32_1 = arith.constant 0 : i32
    return %c0_i32, %c0_i32_0 : i32, i32
  }
  func.func @transform_2(%arg0: i32) -> (i32, i32) {
    %c0_i32 = arith.constant 0 : i32
    %c0_i32_0 = arith.constant 0 : i32
    %c0_i32_1 = arith.constant 0 : i32
    return %c0_i32, %c0_i32_0 : i32, i32
  }
  func.func @transform_3(%arg0: i32) -> (i32, i32) {
    %c0_i32 = arith.constant 0 : i32
    %c0_i32_0 = arith.constant 0 : i32
    return %arg0, %c0_i32 : i32, i32
  }
  func.func @transform_4(%arg0: i32) -> (i32, i32) {
    %c0_i32 = arith.constant 0 : i32
    %c0_i32_0 = arith.constant 0 : i32
    return %arg0, %c0_i32 : i32, i32
  }
}

</mosaic_0001>

<sc_bundles>
// kernel: kernel.5.cloned.1.call-start
scs
__scs_entry_jumppad:
0x0: {  	(pc) =	sbr.rel $0x88, $3  }
0x1: {  	(tag) =	ssettag $0x0;
	lr =	simm.s32 $0x1  }
0x2: {  	[smem:$0x3F9C] =	sst lr;
	_ =	strace $0xD0000000  }
0x3: {  	_ = 	snop  }
0x4: {  	_ = 	snop  }
0x5: {  	_ = 	snop  }
0x6: {  	_ = 	snop  }
0x7: {  	_ = 	snop  }
__scs_overlays_trampoline_lowered:
0x8: {  	[smem:$0x3FAB] =	sst s0  }
0x9: {  	[smem:$0x3FAC] =	sst s1  }
0xa: {  	[smem:$0x3FAD] =	sst s2  }
0xb: {  	[smem:$0x3FAE] =	sst s3  }
0xc: {  	[smem:$0x3FAF] =	sst s4  }
0xd: {  	[smem:$0x3FB0] =	sst s5  }
0xe: {  	[smem:$0x3FB1] =	sst s6  }
0xf: {  	[smem:$0x3FB2] =	sst s7  }
0x10: {  	[smem:$0x3FB3] =	sst s8  }
0x11: {  	[smem:$0x3FB4] =	sst s9;
	s0 =	simm.s32 @!p0 $0x0  }
0x12: {  	s1 =	sld [smem:$0x3F9A];
	s0 =	simm.s32 @p0 $0x1  }
0x13: {  	[smem:$0x3FB5] =	sst s0;
	s0 =	simm.s32 @!p1 $0x0  }
0x14: {  	s2 =	sld [smem:$0x3F99];
	s0 =	simm.s32 @p1 $0x1  }
0x15: {  	[smem:$0x3FB6] =	sst s0;
	s0 =	simm.s32 @!p2 $0x0  }
0x16: {  	s3 =	sld [smem:$0x3FDB];
	s0 =	simm.s32 @p2 $0x1  }
0x17: {  	s4 =	simm.s32 $0x1BF5;
	[smem:$0x3FB8] =	sst s0  }
0x18: {  	s0 =	sld [smem:$0x3F9B];
	_ =	swait.ge [sflag:s4], $0x0  }
0x19: {  	s7 =	sld [smem:$0x3F9C]  }
0x1a: {  	s8 =	sadd.s32 $0xFFFFE003, lr  }
0x1b: {  	s9 =	sadd.s32 $0xFFFFFEF7, lr;
	s5 =	simm.s32 $0xFFFFFFFF;
	p2 =	slt.u32 s8, $0xFFFFF086  }
0x1c: {  	p1 =	slt.u32 s9, $0xF7A;
	s5 =	simm.s32 @!p2 $0x0  }
0x1d: {  	s5 =	simm.s32 @p1 $0x1;
	p0 =	seq.s32 s7, s2  }
0x1e: {  	s7 =	smul.u32 @!p0 $0xF7A, s2;
	p2 =	seq.s32 @!p0 s5, $0x0  }
0x1f: {  	s9 =	smul.u32 $0xF7A, s1;
	s8 =	simm.s32 @!p0 $0x1BF5;
	p2 =	por !p2, p0  }
0x20: {  	[sflag:s8] =	ssyncset.s32 @!p0 $0xFFFFF086;
	s6 =	sadd.s32 @!p0 s3, s7;
	s7 =	simm.s32 @!p0 $0x108  }
0x21: {  	s3 =	sadd.s32 s3, s9;
	s6 =	sadd.s32 @!p0 $0x88, s6;
	s7 =	simm.s32 @p2 $0x1082  }
0x22: {  	[simem:s7], [sflag:s8] =	dma.local @!p0 [hbm:s6], $0xF7A  }
0x23: {  	s9 =	sor.u32 $0xD0000000, s2;
	s6 =	simm.s32 $0x108;
	_ =	swait.ge @!p0 [sflag:s8], $0x0  }
0x24: {  	s3 =	sadd.s32 $0x88, s3;
	s6 =	simm.s32 @!p1 $0x1082;
	[sflag:s4] =	ssyncset.s32 $0xFFFFF086  }
0x25: {  	[simem:s6], [sflag:s4] =	dma.local [hbm:s3], $0xF7A  }
0x26: {  	[smem:$0x3F9C] =	sst s1;
	(tag) =	ssettag s2;
	_ =	strace s9  }
0x27: {  	s1 =	sld [smem:$0x3FAC]  }
0x28: {  	s2 =	sld [smem:$0x3FAD]  }
0x29: {  	s4 =	sld [smem:$0x3FAF]  }
0x2a: {  	p0 =	seq.s32 s5, $0x0;
	s5 =	sld [smem:$0x3FB0]  }
0x2b: {  	s6 =	sld [smem:$0x3FB1]  }
0x2c: {  	s7 =	sld [smem:$0x3FB2]  }
0x2d: {  	s3 =	simm.s32 $0x108;
	s8 =	sld [smem:$0x3FB3]  }
0x2e: {  	s3 =	simm.s32 @!p0 $0x1082;
	s9 =	sld [smem:$0x3FB4]  }
0x2f: {  	lr =	sadd.s32 s0, s3;
	s0 =	sld [smem:$0x3FAB]  }
0x30: {  	s3 =	sld [smem:$0x3FAE]  }
0x31: {  	[smem:$0x3FB7] =	sst s10  }
0x32: {  	s10 =	sld [smem:$0x3FB5];
	_ =	sdelay $0x3  }
0x33: {  	p0 =	seq.s32 s10, $0x1;
	s10 =	sld [smem:$0x3FB7];
	_ =	sdelay $0x3  }
0x34: {  	[smem:$0x3FB7] =	sst s10  }
0x35: {  	s10 =	sld [smem:$0x3FB6];
	_ =	sdelay $0x3  }
0x36: {  	p1 =	seq.s32 s10, $0x1;
	s10 =	sld [smem:$0x3FB7];
	_ =	sdelay $0x3  }
0x37: {  	[smem:$0x3FB7] =	sst s10  }
0x38: {  	s10 =	sld [smem:$0x3FB8]  }
0x39: {  	_ = 	snop;
	(pc) =	sbr.ind lr, $3  }
0x3a: {  	_ = 	snop  }
0x3b: {  	_ = 	snop  }
0x3c: {  	p2 =	seq.s32 s10, $0x1;
	s10 =	sld [smem:$0x3FB7]  }
0x3d: {  	_ =	shalt  }
0x3e: {  	_ =	shalt  }
0x3f: {  	_ =	shalt  }
0x40: {  	_ =	shalt  }
0x41: {  	_ =	shalt  }
0x42: {  	_ =	shalt  }
0x43: {  	_ =	shalt  }
0x44: {  	_ =	shalt  }
0x45: {  	_ =	shalt  }
0x46: {  	_ =	shalt  }
0x47: {  	_ =	shalt  }
0x48: {  	_ =	shalt  }
0x49: {  	_ =	shalt  }
0x4a: {  	_ =	shalt  }
0x4b: {  	_ =	shalt  }
0x4c: {  	_ =	shalt  }
0x4d: {  	_ =	shalt  }
0x4e: {  	_ =	shalt  }
0x4f: {  	_ =	shalt  }
0x50: {  	_ =	shalt  }
0x51: {  	_ =	shalt  }
0x52: {  	_ =	shalt  }
0x53: {  	_ =	shalt  }
0x54: {  	_ =	shalt  }
0x55: {  	_ =	shalt  }
0x56: {  	_ =	shalt  }
0x57: {  	_ =	shalt  }
0x58: {  	_ =	shalt  }
0x59: {  	_ =	shalt  }
0x5a: {  	_ =	shalt  }
0x5b: {  	_ =	shalt  }
0x5c: {  	_ =	shalt  }
0x5d: {  	_ =	shalt  }
0x5e: {  	_ =	shalt  }
0x5f: {  	_ =	shalt  }
0x60: {  	_ =	shalt  }
0x61: {  	_ =	shalt  }
0x62: {  	_ =	shalt  }
0x63: {  	_ =	shalt  }
0x64: {  	_ =	shalt  }
0x65: {  	_ =	shalt  }
0x66: {  	_ =	shalt  }
0x67: {  	_ =	shalt  }
0x68: {  	_ =	shalt  }
0x69: {  	_ =	shalt  }
0x6a: {  	_ =	shalt  }
0x6b: {  	_ =	shalt  }
0x6c: {  	_ =	shalt  }
0x6d: {  	_ =	shalt  }
0x6e: {  	_ =	shalt  }
0x6f: {  	_ =	shalt  }
0x70: {  	_ =	shalt  }
0x71: {  	_ =	shalt  }
0x72: {  	_ =	shalt  }
0x73: {  	_ =	shalt  }
0x74: {  	_ =	shalt  }
0x75: {  	_ =	shalt  }
0x76: {  	_ =	shalt  }
0x77: {  	_ =	shalt  }
0x78: {  	_ =	shalt  }
0x79: {  	_ =	shalt  }
0x7a: {  	_ =	shalt  }
0x7b: {  	_ =	shalt  }
0x7c: {  	_ =	shalt  }
0x7d: {  	_ =	shalt  }
0x7e: {  	_ =	shalt  }
0x7f: {  	_ =	shalt  }
0x80: {  	_ =	shalt  }
0x81: {  	_ =	shalt  }
0x82: {  	_ =	shalt  }
0x83: {  	_ =	shalt  }
0x84: {  	_ =	shalt  }
0x85: {  	_ =	shalt  }
0x86: {  	_ =	shalt  }
0x87: {  	_ =	shalt  }
.Lfunc_end0:
.L_simem_size_0:
called_computation_lowered:
.L_overlay_start_0:
0x88: {  	s2 =	sld [smem:$0x3FD9]  }
0x89: {  	s3 =	sld [smem:$0x3FFE];
	_ =	sdelay $0x1  }
0x8a: {  	s1 =	srdreg.scid  }
0x8b: {  	s0 =	sand.u32 $0x1, s1  }
0x8c: {  	s17 =	sshll.u32 s0, $0xA;
	s2 =	sadd.s32 s3, s2  }
0x8d: {  	s2 =	sadd.s32 s2, s17  }
0x8e: {  	[smem:$0x3FC3] =	sst s2  }
0x8f: {  	_ = 	snop  }
0x90: {  	s2 =	sld [smem:$0x3FD0];
	(tm) =	ssettm $0x1  }
0x91: {  	s18 =	sld [smem:$0x3FFB];
	_ =	sdelay $0x3  }
0x92: {  	_ =	strace s18  }
0x93: {  	s3 =	sld [smem:$0x3FFC];
	_ =	sdelay $0x3  }
0x94: {  	_ =	strace s3  }
0x95: {  	s3 =	sld [smem:$0x3FFD];
	_ =	sdelay $0x3  }
0x96: {  	_ =	strace s3  }
0x97: {  	_ =	strace $0x8FFFFFFF  }
0x98: {  	s19 =	sld [smem:$0x3FDB];
	_ =	sdelay $0x1  }
0x99: {  	s4 =	simm.s32 $_scs_section_size  }
0x9a: {  	s5 =	simm.s32 $_size__tile_overlayer_lowered;
	s6 =	simm.s32 $_tile_overlayer_lowered  }
0x9b: {  	s22 =	simm.s32 $0x1BFF;
	s21 =	sshll.u32 s6, $0x1;
	s3 =	sadd.s32 s4, s19  }
0x9c: {  	s7 =	simm.s32 $0x0;
	s20 =	sshll.u32 s5, $0x1;
	s5 =	sadd.s32 s21, s3  }
0x9d: {  	[timem:s7], [sflag:s22] =	dma.local [hbm:s5], s20  }
0x9e: {  	_ =	swait.ge [sflag:s22], s20  }
0x9f: {  	s4 =	ssub.s32 $0x0, s20;
	[sflag:s22] =	ssyncset.done $0x0  }
0xa0: {  	[sflag:s22] =	ssyncadd.s32 s4;
	_ =	sdelay $0x1  }
0xa1: {  	s23 =	simm.s32 $0x1B8B  }
0xa2: {  	_ =	swait.ge [sflag:s23], $0x1  }
0xa3: {  	[sflag:s23] =	ssyncset.done $0x0  }
0xa4: {  	s25 =	simm.s32 $0x1B8E;
	s24 =	sld [smem:$0x3FFE];
	[sflag:s23] =	ssyncadd.s32 $0xFFFFFFFF  }
0xa5: {  	s26 =	simm.s32 $execute0_lowered;
	[smem:$0x3FD2] =	sst s25  }
0xa6: {  	s5 =	sshll.u32 s26, $0x1;
	_ =	strace $0x80000046;
	[dreg:$0x1] =	wrdreg $0xFFFFFFFF  }
0xa7: {  	s28 =	simm.s32 $_size_execute0_lowered;
	s3 =	sadd.s32 s3, s5;
	[dreg:$0x0] =	wrdreg $0x0  }
0xa8: {  	s5 =	sshll.u32 s28, $0x1;
	[dreg:$0x2] =	wrdreg s3  }
0xa9: {  	[dreg:$0x3] =	wrdreg s5  }
0xaa: {  	[dreg:$0x4] =	wrdreg $0xC0  }
0xab: {  	_ =	task [dreg:s7], $0x5FFFF  }
0xac: {  	[dreg:$0x1] =	wrdreg $0xFFFFFFFF  }
0xad: {  	[dreg:$0x0] =	wrdreg $0x60  }
0xae: {  	[dreg:$0x2] =	wrdreg s24  }
0xaf: {  	[dreg:$0x3] =	wrdreg s2  }
0xb0: {  	[dreg:$0x4] =	wrdreg $0x5A500  }
0xb1: {  	[dreg:$0x5] =	wrdreg $0x9  }
0xb2: {  	_ =	task.clear_ibuf [dreg:s7], $0x6FFFF;
	_ =	strace $0x90000046  }
0xb3: {  	s29 =	simm.s32 $0x9;
	_ =	strace $0x80000048  }
0xb4: {  	_ =	swait.ge [sflag:s29], $0x1  }
0xb5: {  	[sflag:s29] =	ssyncadd.s32 $0xFFFFFFFF  }
0xb6: {  	_ =	strace $0x90000048  }
0xb7: {  	_ =	sfence  }
0xb8: {  	s30 =	sld [smem:$0x0];
	_ =	sdelay $0x2  }
0xb9: {  	s31 =	sshll.u32 s1, $0xD;
	s1 =	sshrl.u32 s1, $0x2  }
0xba: {  	s3 =	sand.u32 $0x4000, s31;
	s1 =	sadd.s32 s1, s30  }
0xbb: {  	s0 =	sor.u32 s3, s0;
	s1 =	sshll.u32 s1, $0x11  }
0xbc: {  	s0 =	sor.u32 s1, s0  }
0xbd: {  	s0 =	sadd.s32 $0x8F2B, s0  }
0xbe: {  	[sflag:s0] =	ssyncadd.remote.s32 $0x1  }
0xbf: {  	_ =	sfence.sel $0xFFFF  }
0xc0: {  	[dreg:$0x0] =	wrdreg $0xFFFFFFFF;
	(pc) =	sbr.abs _section_cstart, $3  }
0xc1: {  	[dreg:$0x1] =	wrdreg $0xFFFFFFFF  }
0xc2: {  	_ =	task.clear_ibuf [dreg:s7], $0x2FFFF;
	_ =	strace $0x9FFFFFFF  }
0xc3: {  	(tm) =	ssettm $0x7FFFFFFF  }
tec
execute0_lowered:
.L_overlay_start_1:
0x0: {  	(tag) =	ssettag $0x1  }
0x1: {  	s4 =	rddreg [dreg:$0x0]  }
0x2: {  	s1 =	srdreg.scid;
	s6 =	rddreg [dreg:$0x1]  }
0x3: {  	s0 =	stileid.u32;
	s2 =	rddreg [dreg:$0x2]  }
0x4: {  	s12 =	simm.s32 $0x1;
	s13 =	simm.s32 $0x57D0;
	s14 =	simm.s32 $0x0  }
0x5: {  	s5 =	sand.u32 $0x1, s1;
	s7 =	smul.u32 $0x280, s0;
	s1 =	rddreg [dreg:$0x3]  }
0x6: {  	s9 =	smul.u32 $0xA000, s0;
	s3 =	sshll.u32 s5, $0x4;
	s10 =	ssub.s32 $0x2, s5  }
0x7: {  	s5 =	smul.u32 $0x2800, s5;
	s8 =	sor.u32 s0, s3;
	s3 =	simm.s32 $0x0  }
0x8: {  	s11 =	sshrl.u32 s10, $0x1;
	s9 =	sshrl.u32 s9, $0x2;
	s8 =	smul.u32 $0x2800, s8  }
0x9: {  	[smem:$0x7FF] =	sst s3;
	s10 =	ssub.s32 s10, s11;
	s7 =	sadd.s32 s7, s5  }
0xa: {  	s11 =	simm.s32 $0x2800;
	_ =	strace $0x80000047;
	s7 =	sshrl.u32 s7, $0x3  }
0xb: {  	s8 =	sshrl.u32 s8, $0x3;
	s6 =	sadd.s32 s6, s7;
	s7 =	smax.u32 s10, $0x1  }
0xc: {  	v2 =	vlaneseq.u32;
	s10 =	simm.s32 $0x7D;
	s8 =	sadd.s32 s4, s8;
	s4 =	sadd.s32 s9, s2  }
0xd: {  	v0 =	vimm.f32 $1.000000000e+00;
	v1 =	vimm.f32 $0.0e+00;
	v2 =	vmul.u32 $0x10, v2;
	s9 =	simm.s32 $0x2;
	s5 =	sadd.s32 $0xB400, s8;
	s8 =	simm.s32 $0x2FD0  }
.LBB2_1:
0xe: {  	s15 =	simm.s32 $0x0  }
.LBB2_2:
0xf: {  	p0 =	sne.s32 s15, $0x1F00  }
.Ltmp0:
0x10: {  	_ = 	snop;
	(pc) =	sbr.rel @p0 .LBB2_2-.Ltmp0, $3  }
0x11: {  	_ =	sdelay $0x1  }
0x12: {  	s16 =	sshra.s32 s15, $0x2  }
0x13: {  	s15 =	sadd.s32 $0x40, s15;
	[tilespmem:s16+$0x2800] =	vst v0  }
0x14: {  	s15 =	simm.s32 $0x40;
	s16 =	simm.s32 $0x0  }
.LBB2_4:
0x15: {  	p0 =	sne.s32 s15, $0x9FC0;
	[tilespmem:s16+$0x2FD0] =	vst v1;
	s16 =	smov.u32 s15;
	s15 =	sadd.s32 $0x40, s15  }
.Ltmp1:
0x16: {  	(pc) =	sbr.rel @p0 .LBB2_4-.Ltmp1, $2  }
0x17: {  	_ =	sdelay $0x2  }
0x18: {  	s16 =	sshra.s32 s16, $0x2  }
0x19: {  	[tilespmem:s16+$0x2FD0] =	vst v1  }
0x1a: {  	[spmem:s4] =	stream.linear.scatter [tilespmem:s8], [sflag:$0x2], $0x2800, $0x38;
	[tilespmem:$0x8250] =	vst v63  }
0x1b: {  	_ =	swait.ge [sflag:s9], $0x2800  }
0x1c: {  	[sflag:s9] =	ssyncset.done $0x0  }
0x1d: {  	s15 =	simm.s32 $0x0;
	[sflag:s9] =	ssyncadd.s32 $0xFFFFD800  }
0x1e: {  	[tilespmem:s15], [sflag:$0x2] =	stream.linear.gather [hbm4b:s5+s15], $0x2800, $0x38;
	[tilespmem:$0x8250] =	vst v63  }
0x1f: {  	_ =	swait.ge [sflag:s9], $0x2800  }
0x20: {  	[sflag:s9] =	ssyncset.done $0x0  }
0x21: {  	[sflag:s9] =	ssyncadd.s32 $0xFFFFD800  }
0x22: {  	[bflag:$0x0] =	sbarrier.arrive $0xFFFF  }
.LBB2_6:
0x23: {  	p0 =	sne.s32 s15, $0x9E00  }
.Ltmp2:
0x24: {  	_ = 	snop;
	(pc) =	sbr.rel @p0 .LBB2_6-.Ltmp2, $3  }
0x25: {  	_ =	sdelay $0x1  }
0x26: {  	s16 =	sshra.s32 s15, $0x2;
	s15 =	sadd.s32 $0x200, s15  }
0x27: {  	[spmem:s2] =	stream.indirect.scatter.add.f32 [tilespmem:s11], [sflag:$0x1], $0x10, s16, s10, $0xb8;
	[tilespmem:$0x8250] =	vst v63  }
0x28: {  	_ =	swait.ge [sflag:s12], $0x7D0  }
0x29: {  	s15 =	simm.s32 $0x4F;
	[sflag:s12] =	ssyncset.done $0x0  }
.LBB2_8:
0x2a: {  	p0 =	sne.s32 s15, $0x1;
	s15 =	sadd.s32 $0xFFFFFFFF, s15;
	[sflag:s12] =	ssyncadd.s32 $0xFFFFF830  }
.Ltmp3:
0x2b: {  	(pc) =	sbr.rel @p0 .LBB2_8-.Ltmp3, $3  }
0x2c: {  	_ =	sdelay $0x1  }
0x2d: {  	_ =	swait.ge [sflag:s12], $0x7D0  }
0x2e: {  	[sflag:s12] =	ssyncset.done $0x0  }
0x2f: {  	s15 =	simm.s32 $0x0  }
0x30: {  	v3 =	vmov s15  }
0x31: {  	[sflag:s12] =	ssyncadd.s32 $0xFFFFF830;
	v3 =	vshll.u32 v3, $0x4  }
0x32: {  	[bflag:$0x0] =	sbarrier.arrive $0xFFFF;
	v3 =	vor.u32 v2, v3  }
0x33: {  	[tilespmem:s8], [sflag:$0x2] =	stream.linear.gather [spmem:s4], $0x2800, $0x38;
	[tilespmem:$0x8250] =	vst v63  }
0x34: {  	_ =	swait.ge [sflag:s9], $0x2800  }
0x35: {  	s31 =	simm.s32 $0x10;
	[sflag:s9] =	ssyncset.done $0x0  }
0x36: {  	v4 =	vmov s31;
	[sflag:s9] =	ssyncadd.s32 $0xFFFFD800  }
0x37: {  	v4 =	vshll.u32 v4, $0x4;
	v3 =	vld.idx.msk [tilespmem:v3+s8+$0x0], $0xffff  }
0x38: {  	v5 =	vor.u32 v2, v4;
	_ =	sdelay $0x2  }
0x39: {  	s15 =	simm.s32 $0x57D0  }
0x3a: {  	s16 =	simm.s32 $0x20;
	[tilespmem:s15+$0x0] =	vst v3  }
0x3b: {  	v4 =	vmov s16;
	s16 =	simm.s32 $0x30;
	v3 =	vld.idx.msk [tilespmem:v5+s8+$0x0], $0xffff  }
.LBB2_10:
0x3c: {  	p0 =	sne.s32 s16, $0x270;
	v4 =	vshll.u32 v4, $0x4  }
0x3d: {  	v5 =	vor.u32 v2, v4  }
.Ltmp4:
0x3e: {  	(pc) =	sbr.rel @p0 .LBB2_10-.Ltmp4, $4  }
0x3f: {  	_ = 	snop  }
0x40: {  	s15 =	sadd.s32 $0x10, s15  }
0x41: {  	[tilespmem:s15+$0x0] =	vst v3  }
0x42: {  	v4 =	vmov s16;
	s16 =	sadd.s32 $0x10, s16;
	v3 =	vld.idx.msk [tilespmem:v5+s8+$0x0], $0xffff  }
0x43: {  	v4 =	vshll.u32 v4, $0x4  }
0x44: {  	v4 =	vor.u32 v2, v4;
	_ =	sdelay $0x2  }
0x45: {  	s15 =	sadd.s32 $0x10, s15  }
0x46: {  	[tilespmem:s15+$0x0] =	vst v3  }
0x47: {  	v3 =	vld.idx.msk [tilespmem:v4+s8+$0x0], $0xffff;
	_ =	sdelay $0x2  }
0x48: {  	s14 =	sadd.s32 $0x1, s14  }
0x49: {  	p0 =	sne.s32 s14, s7;
	s15 =	sadd.s32 $0x10, s15  }
.Ltmp5:
0x4a: {  	[tilespmem:s15+$0x0] =	vst v3;
	(pc) =	sbr.rel @p0 .LBB2_1-.Ltmp5, $4  }
0x4b: {  	[hbm4b:s6+s3] =	stream.linear.scatter [tilespmem:s13], [sflag:$0x2], $0x280, $0x38;
	[tilespmem:$0x8250] =	vst v63  }
0x4c: {  	_ =	swait.ge [sflag:s9], $0x280  }
0x4d: {  	[sflag:s9] =	ssyncset.done $0x0  }
0x4e: {  	[sflag:s9] =	ssyncadd.s32 $0xFFFFFD80  }
0x4f: {  	_ =	sfence.sel $0x180000  }
0x50: {  	[bflag:$0x0] =	sbarrier.arrive $0xFFFF  }
0x51: {  	p0 =	sne.s32 s0, $0x0;
	_ =	strace $0x90000047  }
0x52: {  	s0 =	sadd.s32 @!p0 $0x100000, s1;
	[bflag:$0x2] =	sbarrier.arrive $0xFFFF  }
0x53: {  	[sflag:s0] =	ssyncadd.tile.s32 @!p0 $0x1;
	_ =	shalt  }
.Lfunc_end2:
_tile_overlayer_lowered:
.L_overlay_start_2:
0x54: {  	(tag) =	ssettag $0x2  }
0x55: {  	s0 =	rddreg [dreg:$0x0];
	s2 =	stileid.u32  }
0x56: {  	s1 =	rddreg [dreg:$0x1];
	p0 =	sne.s32 s2, $0x0  }
0x57: {  	s3 =	rddreg [dreg:$0x2];
	[bflag:$0x3] =	sbarrier.arrive $0xFFFF;
	s2 =	simm.s32 @!p0 $0x1C02  }
0x58: {  	[timem:s3], [sflag:s2] =	dma.local @!p0 [hbm:s0], s1  }
0x59: {  	s0 =	simm.s32 @!p0 $0x2  }
0x5a: {  	_ =	swait.ge @!p0 [sflag:s0], s1  }
0x5b: {  	s1 =	ssub.s32 @!p0 $0x0, s1;
	[sflag:s0] =	ssyncset.done @!p0 $0x0  }
0x5c: {  	[sflag:s0] =	ssyncadd.s32 @!p0 s1  }
0x5d: {  	[bflag:$0x3] =	sbarrier.arrive $0xFFFF  }
0x5e: {  	_ =	shalt  }

// kernel: kernel.8.cloned.1.call-start
scs
__scs_entry_jumppad:
0x0: {  	(pc) =	sbr.rel $0x88, $3  }
0x1: {  	(tag) =	ssettag $0x0;
	lr =	simm.s32 $0x1  }
0x2: {  	[smem:$0x3F9C] =	sst lr;
	_ =	strace $0xD0000000  }
0x3: {  	_ = 	snop  }
0x4: {  	_ = 	snop  }
0x5: {  	_ = 	snop  }
0x6: {  	_ = 	snop  }
0x7: {  	_ = 	snop  }
__scs_overlays_trampoline_lowered:
0x8: {  	[smem:$0x3FAB] =	sst s0  }
0x9: {  	[smem:$0x3FAC] =	sst s1  }
0xa: {  	[smem:$0x3FAD] =	sst s2  }
0xb: {  	[smem:$0x3FAE] =	sst s3  }
0xc: {  	[smem:$0x3FAF] =	sst s4  }
0xd: {  	[smem:$0x3FB0] =	sst s5  }
0xe: {  	[smem:$0x3FB1] =	sst s6  }
0xf: {  	[smem:$0x3FB2] =	sst s7  }
0x10: {  	[smem:$0x3FB3] =	sst s8  }
0x11: {  	[smem:$0x3FB4] =	sst s9;
	s0 =	simm.s32 @!p0 $0x0  }
0x12: {  	s1 =	sld [smem:$0x3F9A];
	s0 =	simm.s32 @p0 $0x1  }
0x13: {  	[smem:$0x3FB5] =	sst s0;
	s0 =	simm.s32 @!p1 $0x0  }
0x14: {  	s2 =	sld [smem:$0x3F99];
	s0 =	simm.s32 @p1 $0x1  }
0x15: {  	[smem:$0x3FB6] =	sst s0;
	s0 =	simm.s32 @!p2 $0x0  }
0x16: {  	s3 =	sld [smem:$0x3FDB];
	s0 =	simm.s32 @p2 $0x1  }
0x17: {  	s4 =	simm.s32 $0x1BF5;
	[smem:$0x3FB8] =	sst s0  }
0x18: {  	s0 =	sld [smem:$0x3F9B];
	_ =	swait.ge [sflag:s4], $0x0  }
0x19: {  	s7 =	sld [smem:$0x3F9C]  }
0x1a: {  	s8 =	sadd.s32 $0xFFFFE003, lr  }
0x1b: {  	s9 =	sadd.s32 $0xFFFFFEF7, lr;
	s5 =	simm.s32 $0xFFFFFFFF;
	p2 =	slt.u32 s8, $0xFFFFF086  }
0x1c: {  	p1 =	slt.u32 s9, $0xF7A;
	s5 =	simm.s32 @!p2 $0x0  }
0x1d: {  	s5 =	simm.s32 @p1 $0x1;
	p0 =	seq.s32 s7, s2  }
0x1e: {  	s7 =	smul.u32 @!p0 $0xF7A, s2;
	p2 =	seq.s32 @!p0 s5, $0x0  }
0x1f: {  	s9 =	smul.u32 $0xF7A, s1;
	s8 =	simm.s32 @!p0 $0x1BF5;
	p2 =	por !p2, p0  }
0x20: {  	[sflag:s8] =	ssyncset.s32 @!p0 $0xFFFFF086;
	s6 =	sadd.s32 @!p0 s3, s7;
	s7 =	simm.s32 @!p0 $0x108  }
0x21: {  	s3 =	sadd.s32 s3, s9;
	s6 =	sadd.s32 @!p0 $0x88, s6;
	s7 =	simm.s32 @p2 $0x1082  }
0x22: {  	[simem:s7], [sflag:s8] =	dma.local @!p0 [hbm:s6], $0xF7A  }
0x23: {  	s9 =	sor.u32 $0xD0000000, s2;
	s6 =	simm.s32 $0x108;
	_ =	swait.ge @!p0 [sflag:s8], $0x0  }
0x24: {  	s3 =	sadd.s32 $0x88, s3;
	s6 =	simm.s32 @!p1 $0x1082;
	[sflag:s4] =	ssyncset.s32 $0xFFFFF086  }
0x25: {  	[simem:s6], [sflag:s4] =	dma.local [hbm:s3], $0xF7A  }
0x26: {  	[smem:$0x3F9C] =	sst s1;
	(tag) =	ssettag s2;
	_ =	strace s9  }
0x27: {  	s1 =	sld [smem:$0x3FAC]  }
0x28: {  	s2 =	sld [smem:$0x3FAD]  }
0x29: {  	s4 =	sld [smem:$0x3FAF]  }
0x2a: {  	p0 =	seq.s32 s5, $0x0;
	s5 =	sld [smem:$0x3FB0]  }
0x2b: {  	s6 =	sld [smem:$0x3FB1]  }
0x2c: {  	s7 =	sld [smem:$0x3FB2]  }
0x2d: {  	s3 =	simm.s32 $0x108;
	s8 =	sld [smem:$0x3FB3]  }
0x2e: {  	s3 =	simm.s32 @!p0 $0x1082;
	s9 =	sld [smem:$0x3FB4]  }
0x2f: {  	lr =	sadd.s32 s0, s3;
	s0 =	sld [smem:$0x3FAB]  }
0x30: {  	s3 =	sld [smem:$0x3FAE]  }
0x31: {  	[smem:$0x3FB7] =	sst s10  }
0x32: {  	s10 =	sld [smem:$0x3FB5];
	_ =	sdelay $0x3  }
0x33: {  	p0 =	seq.s32 s10, $0x1;
	s10 =	sld [smem:$0x3FB7];
	_ =	sdelay $0x3  }
0x34: {  	[smem:$0x3FB7] =	sst s10  }
0x35: {  	s10 =	sld [smem:$0x3FB6];
	_ =	sdelay $0x3  }
0x36: {  	p1 =	seq.s32 s10, $0x1;
	s10 =	sld [smem:$0x3FB7];
	_ =	sdelay $0x3  }
0x37: {  	[smem:$0x3FB7] =	sst s10  }
0x38: {  	s10 =	sld [smem:$0x3FB8]  }
0x39: {  	_ = 	snop;
	(pc) =	sbr.ind lr, $3  }
0x3a: {  	_ = 	snop  }
0x3b: {  	_ = 	snop  }
0x3c: {  	p2 =	seq.s32 s10, $0x1;
	s10 =	sld [smem:$0x3FB7]  }
0x3d: {  	_ =	shalt  }
0x3e: {  	_ =	shalt  }
0x3f: {  	_ =	shalt  }
0x40: {  	_ =	shalt  }
0x41: {  	_ =	shalt  }
0x42: {  	_ =	shalt  }
0x43: {  	_ =	shalt  }
0x44: {  	_ =	shalt  }
0x45: {  	_ =	shalt  }
0x46: {  	_ =	shalt  }
0x47: {  	_ =	shalt  }
0x48: {  	_ =	shalt  }
0x49: {  	_ =	shalt  }
0x4a: {  	_ =	shalt  }
0x4b: {  	_ =	shalt  }
0x4c: {  	_ =	shalt  }
0x4d: {  	_ =	shalt  }
0x4e: {  	_ =	shalt  }
0x4f: {  	_ =	shalt  }
0x50: {  	_ =	shalt  }
0x51: {  	_ =	shalt  }
0x52: {  	_ =	shalt  }
0x53: {  	_ =	shalt  }
0x54: {  	_ =	shalt  }
0x55: {  	_ =	shalt  }
0x56: {  	_ =	shalt  }
0x57: {  	_ =	shalt  }
0x58: {  	_ =	shalt  }
0x59: {  	_ =	shalt  }
0x5a: {  	_ =	shalt  }
0x5b: {  	_ =	shalt  }
0x5c: {  	_ =	shalt  }
0x5d: {  	_ =	shalt  }
0x5e: {  	_ =	shalt  }
0x5f: {  	_ =	shalt  }
0x60: {  	_ =	shalt  }
0x61: {  	_ =	shalt  }
0x62: {  	_ =	shalt  }
0x63: {  	_ =	shalt  }
0x64: {  	_ =	shalt  }
0x65: {  	_ =	shalt  }
0x66: {  	_ =	shalt  }
0x67: {  	_ =	shalt  }
0x68: {  	_ =	shalt  }
0x69: {  	_ =	shalt  }
0x6a: {  	_ =	shalt  }
0x6b: {  	_ =	shalt  }
0x6c: {  	_ =	shalt  }
0x6d: {  	_ =	shalt  }
0x6e: {  	_ =	shalt  }
0x6f: {  	_ =	shalt  }
0x70: {  	_ =	shalt  }
0x71: {  	_ =	shalt  }
0x72: {  	_ =	shalt  }
0x73: {  	_ =	shalt  }
0x74: {  	_ =	shalt  }
0x75: {  	_ =	shalt  }
0x76: {  	_ =	shalt  }
0x77: {  	_ =	shalt  }
0x78: {  	_ =	shalt  }
0x79: {  	_ =	shalt  }
0x7a: {  	_ =	shalt  }
0x7b: {  	_ =	shalt  }
0x7c: {  	_ =	shalt  }
0x7d: {  	_ =	shalt  }
0x7e: {  	_ =	shalt  }
0x7f: {  	_ =	shalt  }
0x80: {  	_ =	shalt  }
0x81: {  	_ =	shalt  }
0x82: {  	_ =	shalt  }
0x83: {  	_ =	shalt  }
0x84: {  	_ =	shalt  }
0x85: {  	_ =	shalt  }
0x86: {  	_ =	shalt  }
0x87: {  	_ =	shalt  }
.Lfunc_end0:
.L_simem_size_0:
called_computation.1_lowered:
.L_overlay_start_0:
0x88: {  	s2 =	sld [smem:$0x3FD9]  }
0x89: {  	s3 =	sld [smem:$0x3FFE];
	_ =	sdelay $0x1  }
0x8a: {  	s1 =	srdreg.scid  }
0x8b: {  	s0 =	sand.u32 $0x1, s1  }
0x8c: {  	s17 =	sshll.u32 s0, $0xA;
	s2 =	sadd.s32 s3, s2  }
0x8d: {  	s2 =	sadd.s32 s2, s17  }
0x8e: {  	[smem:$0x3FC3] =	sst s2  }
0x8f: {  	_ = 	snop  }
0x90: {  	s2 =	sld [smem:$0x3FD0];
	(tm) =	ssettm $0x1  }
0x91: {  	s18 =	sld [smem:$0x3FFB];
	_ =	sdelay $0x3  }
0x92: {  	_ =	strace s18  }
0x93: {  	s3 =	sld [smem:$0x3FFC];
	_ =	sdelay $0x3  }
0x94: {  	_ =	strace s3  }
0x95: {  	s3 =	sld [smem:$0x3FFD];
	_ =	sdelay $0x3  }
0x96: {  	_ =	strace s3  }
0x97: {  	_ =	strace $0x8FFFFFFF  }
0x98: {  	s19 =	sld [smem:$0x3FDB];
	_ =	sdelay $0x1  }
0x99: {  	s4 =	simm.s32 $_scs_section_size  }
0x9a: {  	s5 =	simm.s32 $_size__tile_overlayer_lowered;
	s6 =	simm.s32 $_tile_overlayer_lowered  }
0x9b: {  	s22 =	simm.s32 $0x1BFF;
	s21 =	sshll.u32 s6, $0x1;
	s3 =	sadd.s32 s4, s19  }
0x9c: {  	s7 =	simm.s32 $0x0;
	s20 =	sshll.u32 s5, $0x1;
	s5 =	sadd.s32 s21, s3  }
0x9d: {  	[timem:s7], [sflag:s22] =	dma.local [hbm:s5], s20  }
0x9e: {  	_ =	swait.ge [sflag:s22], s20  }
0x9f: {  	s4 =	ssub.s32 $0x0, s20;
	[sflag:s22] =	ssyncset.done $0x0  }
0xa0: {  	[sflag:s22] =	ssyncadd.s32 s4;
	_ =	sdelay $0x1  }
0xa1: {  	s23 =	simm.s32 $0x1B8B  }
0xa2: {  	_ =	swait.ge [sflag:s23], $0x1  }
0xa3: {  	[sflag:s23] =	ssyncset.done $0x0  }
0xa4: {  	s25 =	simm.s32 $0x1B8E;
	s24 =	sld [smem:$0x3FFE];
	[sflag:s23] =	ssyncadd.s32 $0xFFFFFFFF  }
0xa5: {  	s26 =	simm.s32 $execute0_lowered;
	[smem:$0x3FD2] =	sst s25  }
0xa6: {  	s5 =	sshll.u32 s26, $0x1;
	_ =	strace $0x80000049;
	[dreg:$0x1] =	wrdreg $0xFFFFFFFF  }
0xa7: {  	s28 =	simm.s32 $_size_execute0_lowered;
	s3 =	sadd.s32 s3, s5;
	[dreg:$0x0] =	wrdreg $0x0  }
0xa8: {  	s5 =	sshll.u32 s28, $0x1;
	[dreg:$0x2] =	wrdreg s3  }
0xa9: {  	[dreg:$0x3] =	wrdreg s5  }
0xaa: {  	[dreg:$0x4] =	wrdreg $0xC0  }
0xab: {  	_ =	task [dreg:s7], $0x5FFFF  }
0xac: {  	[dreg:$0x1] =	wrdreg $0xFFFFFFFF  }
0xad: {  	[dreg:$0x0] =	wrdreg $0x60  }
0xae: {  	[dreg:$0x2] =	wrdreg s2  }
0xaf: {  	[dreg:$0x3] =	wrdreg s24  }
0xb0: {  	[dreg:$0x4] =	wrdreg $0x15E000  }
0xb1: {  	[dreg:$0x5] =	wrdreg $0x9  }
0xb2: {  	_ =	task.clear_ibuf [dreg:s7], $0x6FFFF;
	_ =	strace $0x90000049  }
0xb3: {  	s29 =	simm.s32 $0x9;
	_ =	strace $0x8000004B  }
0xb4: {  	_ =	swait.ge [sflag:s29], $0x1  }
0xb5: {  	[sflag:s29] =	ssyncadd.s32 $0xFFFFFFFF  }
0xb6: {  	_ =	strace $0x9000004B  }
0xb7: {  	_ =	sfence  }
0xb8: {  	s30 =	sld [smem:$0x0];
	_ =	sdelay $0x2  }
0xb9: {  	s31 =	sshll.u32 s1, $0xD;
	s1 =	sshrl.u32 s1, $0x2  }
0xba: {  	s3 =	sand.u32 $0x4000, s31;
	s1 =	sadd.s32 s1, s30  }
0xbb: {  	s0 =	sor.u32 s3, s0;
	s1 =	sshll.u32 s1, $0x11  }
0xbc: {  	s0 =	sor.u32 s1, s0  }
0xbd: {  	s0 =	sadd.s32 $0x8F2B, s0  }
0xbe: {  	[sflag:s0] =	ssyncadd.remote.s32 $0x1  }
0xbf: {  	_ =	sfence.sel $0xFFFF  }
0xc0: {  	[dreg:$0x0] =	wrdreg $0xFFFFFFFF;
	(pc) =	sbr.abs _section_cstart, $3  }
0xc1: {  	[dreg:$0x1] =	wrdreg $0xFFFFFFFF  }
0xc2: {  	_ =	task.clear_ibuf [dreg:s7], $0x2FFFF;
	_ =	strace $0x9FFFFFFF  }
0xc3: {  	(tm) =	ssettm $0x7FFFFFFF  }
tec
execute0_lowered:
.L_overlay_start_1:
0x0: {  	(tag) =	ssettag $0x1  }
0x1: {  	s1 =	rddreg [dreg:$0x0]  }
0x2: {  	s0 =	srdreg.scid;
	s5 =	rddreg [dreg:$0x1]  }
0x3: {  	s4 =	stileid.u32;
	s3 =	rddreg [dreg:$0x2];
	s17 =	simm.s32 $0x0  }
0x4: {  	s28 =	simm.s32 $0xADC0;
	s29 =	simm.s32 $0x1;
	s31 =	simm.s32 $0xCD00  }
0x5: {  	s30 =	simm.s32 $0x3;
	s10 =	simm.s32 $0x7;
	s11 =	simm.s32 $0xB  }
0x6: {  	s12 =	simm.s32 $0x8;
	s13 =	simm.s32 $0xD;
	s6 =	smul.u32 $0x9E00, s4  }
0x7: {  	s14 =	simm.s32 $0xE;
	s0 =	sand.u32 $0x1, s0;
	s8 =	smul.u32 $0x27800, s4  }
0x8: {  	[smem:$0x7FF] =	sst s17;
	s2 =	sshll.u32 s0, $0x4;
	s7 =	smul.u32 $0x9E000, s0  }
0x9: {  	_ =	strace $0x8000004A;
	s0 =	ssub.s32 $0x2, s0;
	s2 =	sor.u32 s4, s2  }
0xa: {  	s9 =	sshrl.u32 s0, $0x1;
	s8 =	sshrl.u32 s8, $0x2;
	s16 =	sadd.s32 s6, s3  }
0xb: {  	s2 =	smul.u32 $0x2800, s2;
	s7 =	sadd.s32 s6, s7;
	s15 =	sadd.s32 s8, s3  }
0xc: {  	s0 =	ssub.s32 s0, s9;
	[dreg:$0x5] =	wrdreg s16;
	s18 =	sadd.s32 $0x1400, s15  }
0xd: {  	s6 =	simm.s32 $0x5;
	s19 =	sadd.s32 $0x2800, s15;
	[dreg:$0x6] =	wrdreg s18  }
0xe: {  	s8 =	simm.s32 $0x6;
	s20 =	sadd.s32 $0x3C00, s15;
	[dreg:$0x7] =	wrdreg s19  }
0xf: {  	s9 =	simm.s32 $0xA;
	s21 =	sadd.s32 $0x5000, s15;
	[dreg:$0x8] =	wrdreg s20  }
0x10: {  	s16 =	simm.s32 $0x10;
	s22 =	sadd.s32 $0x6400, s15;
	[dreg:$0x9] =	wrdreg s21  }
0x11: {  	s7 =	sshrl.u32 s7, $0x3;
	s23 =	sadd.s32 $0x7800, s15;
	[dreg:$0xa] =	wrdreg s22  }
0x12: {  	s24 =	sadd.s32 $0x8C00, s15;
	s0 =	smax.u32 s0, $0x1;
	[dreg:$0xb] =	wrdreg s23  }
0x13: {  	s15 =	simm.s32 $0xF;
	s2 =	sshrl.u32 s2, $0x3;
	[dreg:$0xc] =	wrdreg s24  }
0x14: {  	[dreg:$0x10] =	wrdreg s0;
	s18 =	simm.s32 $0x11;
	s20 =	simm.s32 $0x7D  }
0x15: {  	s21 =	simm.s32 $0x5000;
	s23 =	simm.s32 $0x6F40;
	s2 =	sadd.s32 s2, s5  }
0x16: {  	s24 =	simm.s32 $0x10B80;
	s0 =	simm.s32 $0x4;
	s25 =	sadd.s32 $0x1400, s2  }
0x17: {  	s5 =	sadd.s32 s7, s5;
	s2 =	sadd.s32 $0xB400, s2;
	[dreg:$0xd] =	wrdreg s25  }
0x18: {  	s22 =	simm.s32 $0x12AC0;
	s26 =	sadd.s32 $0x15400, s5;
	[dreg:$0xe] =	wrdreg s2  }
0x19: {  	s19 =	simm.s32 $0xC;
	s7 =	simm.s32 $0x9;
	[dreg:$0xf] =	wrdreg s26  }
0x1a: {  	v0 =	vimm.f32 $0.0e+00;
	s25 =	simm.s32 $0x8E80;
	s2 =	simm.s32 $0x2;
	s26 =	simm.s32 $0xEC40  }
.LBB2_1:
0x1b: {  	[dreg:$0x4] =	wrdreg s17;
	s17 =	simm.s32 $0x100;
	s5 =	simm.s32 $0x0  }
.LBB2_2:
0x1c: {  	p0 =	sne.s32 s17, $0x4F00;
	[tilespmem:s5+$0x14A30] =	vst v0;
	s4 =	smov.u32 s17;
	s17 =	sadd.s32 $0x100, s17  }
.Ltmp0:
0x1d: {  	[tilespmem:s5+$0x14A20] =	vst v0;
	(pc) =	sbr.rel @p0 .LBB2_2-.Ltmp0, $3  }
0x1e: {  	[tilespmem:s5+$0x14A00] =	vst v0  }
0x1f: {  	[tilespmem:s5+$0x14A10] =	vst v0;
	_ =	sdelay $0x1  }
0x20: {  	s5 =	sshra.s32 s4, $0x2  }
0x21: {  	[tilespmem:s5+$0x14A30] =	vst v0  }
0x22: {  	[tilespmem:s5+$0x14A20] =	vst v0  }
0x23: {  	[tilespmem:s5+$0x14A00] =	vst v0  }
0x24: {  	[tilespmem:s5+$0x14A10] =	vst v0;
	s4 =	rddreg [dreg:$0x5];
	s5 =	simm.s32 $0x14A00  }
0x25: {  	[spmem:s4] =	stream.linear.scatter [tilespmem:s5], [sflag:$0x11], $0x1400, $0x38;
	[tilespmem:$0x1FC00] =	vst v63  }
0x26: {  	_ =	swait.ge [sflag:s18], $0x1400  }
0x27: {  	[sflag:s18] =	ssyncset.done $0x0  }
0x28: {  	s17 =	rddreg [dreg:$0x6];
	[sflag:s18] =	ssyncadd.s32 $0xFFFFEC00  }
0x29: {  	[spmem:s17] =	stream.linear.scatter [tilespmem:s5], [sflag:$0x11], $0x1400, $0x38;
	[tilespmem:$0x1FC00] =	vst v63  }
0x2a: {  	_ =	swait.ge [sflag:s18], $0x1400  }
0x2b: {  	[sflag:s18] =	ssyncset.done $0x0  }
0x2c: {  	s17 =	rddreg [dreg:$0x7];
	[sflag:s18] =	ssyncadd.s32 $0xFFFFEC00  }
0x2d: {  	[spmem:s17] =	stream.linear.scatter [tilespmem:s5], [sflag:$0x11], $0x1400, $0x38;
	[tilespmem:$0x1FC00] =	vst v63  }
0x2e: {  	_ =	swait.ge [sflag:s18], $0x1400  }
0x2f: {  	[sflag:s18] =	ssyncset.done $0x0  }
0x30: {  	s17 =	rddreg [dreg:$0x8];
	[sflag:s18] =	ssyncadd.s32 $0xFFFFEC00  }
0x31: {  	[spmem:s17] =	stream.linear.scatter [tilespmem:s5], [sflag:$0x11], $0x1400, $0x38;
	[tilespmem:$0x1FC00] =	vst v63  }
0x32: {  	_ =	swait.ge [sflag:s18], $0x1400  }
0x33: {  	[sflag:s18] =	ssyncset.done $0x0  }
0x34: {  	s17 =	rddreg [dreg:$0x9];
	[sflag:s18] =	ssyncadd.s32 $0xFFFFEC00  }
0x35: {  	[spmem:s17] =	stream.linear.scatter [tilespmem:s5], [sflag:$0x11], $0x1400, $0x38;
	[tilespmem:$0x1FC00] =	vst v63  }
0x36: {  	_ =	swait.ge [sflag:s18], $0x1400  }
0x37: {  	[sflag:s18] =	ssyncset.done $0x0  }
0x38: {  	s17 =	rddreg [dreg:$0xa];
	[sflag:s18] =	ssyncadd.s32 $0xFFFFEC00  }
0x39: {  	[spmem:s17] =	stream.linear.scatter [tilespmem:s5], [sflag:$0x11], $0x1400, $0x38;
	[tilespmem:$0x1FC00] =	vst v63  }
0x3a: {  	_ =	swait.ge [sflag:s18], $0x1400  }
0x3b: {  	[sflag:s18] =	ssyncset.done $0x0  }
0x3c: {  	s17 =	rddreg [dreg:$0xb];
	[sflag:s18] =	ssyncadd.s32 $0xFFFFEC00  }
0x3d: {  	[spmem:s17] =	stream.linear.scatter [tilespmem:s5], [sflag:$0x11], $0x1400, $0x38;
	[tilespmem:$0x1FC00] =	vst v63  }
0x3e: {  	_ =	swait.ge [sflag:s18], $0x1400  }
0x3f: {  	[sflag:s18] =	ssyncset.done $0x0  }
0x40: {  	s17 =	rddreg [dreg:$0xc];
	[sflag:s18] =	ssyncadd.s32 $0xFFFFEC00  }
0x41: {  	[spmem:s17] =	stream.linear.scatter [tilespmem:s5], [sflag:$0x11], $0x1200, $0x38;
	[tilespmem:$0x1FC00] =	vst v63  }
0x42: {  	_ =	swait.ge [sflag:s18], $0x1200  }
0x43: {  	[sflag:s18] =	ssyncset.done $0x0  }
0x44: {  	s4 =	simm.s32 $0x0;
	s17 =	rddreg [dreg:$0xd];
	[sflag:s18] =	ssyncadd.s32 $0xFFFFEE00  }
0x45: {  	[tilespmem:s4], [sflag:$0x11] =	stream.linear.gather [hbm4b:s17+s4], $0x2800, $0x38;
	[tilespmem:$0x1FC00] =	vst v63  }
0x46: {  	_ =	swait.ge [sflag:s18], $0x2800  }
0x47: {  	[sflag:s18] =	ssyncset.done $0x0  }
0x48: {  	s17 =	simm.s32 $0x2800;
	s5 =	rddreg [dreg:$0xe];
	[sflag:s18] =	ssyncadd.s32 $0xFFFFD800  }
0x49: {  	[tilespmem:s17], [sflag:$0x11] =	stream.linear.gather [hbm4b:s5+s4], $0x2800, $0x38;
	[tilespmem:$0x1FC00] =	vst v63  }
0x4a: {  	_ =	swait.ge [sflag:s18], $0x2800  }
0x4b: {  	[sflag:s18] =	ssyncset.done $0x0  }
0x4c: {  	[sflag:s18] =	ssyncadd.s32 $0xFFFFD800  }
0x4d: {  	[bflag:$0x0] =	sbarrier.arrive $0xFFFF  }
0x4e: {  	[tilespmem:s21], [sflag:$0x1] =	stream.indirect.gather [hbm4b:s1+s20], $0x40, s4, s20, $0xb8;
	[tilespmem:$0x1FC00] =	vst v63  }
0x4f: {  	s5 =	simm.s32 $0x80  }
0x50: {  	[tilespmem:s23], [sflag:$0x2] =	stream.indirect.gather [hbm4b:s1+s20], $0x40, s5, s20, $0xb8;
	[tilespmem:$0x1FC00] =	vst v63  }
0x51: {  	s5 =	simm.s32 $0x100  }
0x52: {  	[tilespmem:s25], [sflag:$0x3] =	stream.indirect.gather [hbm4b:s1+s20], $0x40, s5, s20, $0xb8;
	[tilespmem:$0x1FC00] =	vst v63  }
0x53: {  	s5 =	simm.s32 $0x180  }
0x54: {  	[tilespmem:s28], [sflag:$0x4] =	stream.indirect.gather [hbm4b:s1+s20], $0x40, s5, s20, $0xb8;
	[tilespmem:$0x1FC00] =	vst v63  }
0x55: {  	_ =	swait.ge [sflag:s29], $0x1F40  }
0x56: {  	[sflag:s29] =	ssyncset.done $0x0  }
0x57: {  	[sflag:s29] =	ssyncadd.s32 $0xFFFFE0C0  }
0x58: {  	[spmem:s3] =	stream.indirect.scatter.add.f32 [tilespmem:s21], [sflag:$0x9], $0x40, s17, s20, $0xb8;
	[tilespmem:$0x1FC00] =	vst v63  }
0x59: {  	s5 =	simm.s32 $0x200  }
0x5a: {  	[tilespmem:s31], [sflag:$0x5] =	stream.indirect.gather [hbm4b:s1+s20], $0x40, s5, s20, $0xb8;
	[tilespmem:$0x1FC00] =	vst v63  }
0x5b: {  	_ =	swait.ge [sflag:s2], $0x1F40  }
0x5c: {  	[sflag:s2] =	ssyncset.done $0x0  }
0x5d: {  	s17 =	simm.s32 $0x2880;
	[sflag:s2] =	ssyncadd.s32 $0xFFFFE0C0  }
0x5e: {  	[spmem:s3] =	stream.indirect.scatter.add.f32 [tilespmem:s23], [sflag:$0xA], $0x40, s17, s20, $0xb8;
	[tilespmem:$0x1FC00] =	vst v63  }
0x5f: {  	s5 =	simm.s32 $0x280  }
0x60: {  	[tilespmem:s26], [sflag:$0x6] =	stream.indirect.gather [hbm4b:s1+s20], $0x40, s5, s20, $0xb8;
	[tilespmem:$0x1FC00] =	vst v63  }
0x61: {  	_ =	swait.ge [sflag:s30], $0x1F40  }
0x62: {  	[sflag:s30] =	ssyncset.done $0x0  }
0x63: {  	s17 =	simm.s32 $0x2900;
	[sflag:s30] =	ssyncadd.s32 $0xFFFFE0C0  }
0x64: {  	[spmem:s3] =	stream.indirect.scatter.add.f32 [tilespmem:s25], [sflag:$0xB], $0x40, s17, s20, $0xb8;
	[tilespmem:$0x1FC00] =	vst v63  }
0x65: {  	s5 =	simm.s32 $0x300  }
0x66: {  	[tilespmem:s24], [sflag:$0x7] =	stream.indirect.gather [hbm4b:s1+s20], $0x40, s5, s20, $0xb8;
	[tilespmem:$0x1FC00] =	vst v63  }
0x67: {  	_ =	swait.ge [sflag:s0], $0x1F40  }
0x68: {  	[sflag:s0] =	ssyncset.done $0x0  }
0x69: {  	s17 =	simm.s32 $0x2980;
	[sflag:s0] =	ssyncadd.s32 $0xFFFFE0C0  }
0x6a: {  	[spmem:s3] =	stream.indirect.scatter.add.f32 [tilespmem:s28], [sflag:$0xC], $0x40, s17, s20, $0xb8;
	[tilespmem:$0x1FC00] =	vst v63  }
0x6b: {  	s5 =	simm.s32 $0x380  }
0x6c: {  	[tilespmem:s22], [sflag:$0x8] =	stream.indirect.gather [hbm4b:s1+s20], $0x40, s5, s20, $0xb8;
	[tilespmem:$0x1FC00] =	vst v63  }
0x6d: {  	_ =	swait.ge [sflag:s6], $0x1F40  }
0x6e: {  	[sflag:s6] =	ssyncset.done $0x0  }
0x6f: {  	s17 =	simm.s32 $0x2A00;
	[sflag:s6] =	ssyncadd.s32 $0xFFFFE0C0  }
0x70: {  	[spmem:s3] =	stream.indirect.scatter.add.f32 [tilespmem:s31], [sflag:$0xD], $0x40, s17, s20, $0xb8;
	[tilespmem:$0x1FC00] =	vst v63  }
0x71: {  	_ =	swait.ge [sflag:s7], $0x1F40  }
0x72: {  	[sflag:s7] =	ssyncset.done $0x0  }
0x73: {  	s5 =	simm.s32 $0x400;
	[sflag:s7] =	ssyncadd.s32 $0xFFFFE0C0  }
0x74: {  	[tilespmem:s21], [sflag:$0x1] =	stream.indirect.gather [hbm4b:s1+s20], $0x40, s5, s20, $0xb8;
	[tilespmem:$0x1FC00] =	vst v63  }
0x75: {  	_ =	swait.ge [sflag:s8], $0x1F40  }
0x76: {  	[sflag:s8] =	ssyncset.done $0x0  }
0x77: {  	s17 =	simm.s32 $0x2A80;
	[sflag:s8] =	ssyncadd.s32 $0xFFFFE0C0  }
0x78: {  	[spmem:s3] =	stream.indirect.scatter.add.f32 [tilespmem:s26], [sflag:$0xE], $0x40, s17, s20, $0xb8;
	[tilespmem:$0x1FC00] =	vst v63  }
0x79: {  	_ =	swait.ge [sflag:s9], $0x1F40  }
0x7a: {  	[sflag:s9] =	ssyncset.done $0x0  }
0x7b: {  	s5 =	simm.s32 $0x480;
	[sflag:s9] =	ssyncadd.s32 $0xFFFFE0C0  }
0x7c: {  	[tilespmem:s23], [sflag:$0x2] =	stream.indirect.gather [hbm4b:s1+s20], $0x40, s5, s20, $0xb8;
	[tilespmem:$0x1FC00] =	vst v63  }
0x7d: {  	_ =	swait.ge [sflag:s10], $0x1F40  }
0x7e: {  	[sflag:s10] =	ssyncset.done $0x0  }
0x7f: {  	s17 =	simm.s32 $0x2B00;
	[sflag:s10] =	ssyncadd.s32 $0xFFFFE0C0  }
0x80: {  	[spmem:s3] =	stream.indirect.scatter.add.f32 [tilespmem:s24], [sflag:$0xF], $0x40, s17, s20, $0xb8;
	[tilespmem:$0x1FC00] =	vst v63  }
0x81: {  	_ =	swait.ge [sflag:s11], $0x1F40  }
0x82: {  	[sflag:s11] =	ssyncset.done $0x0  }
0x83: {  	s5 =	simm.s32 $0x500;
	[sflag:s11] =	ssyncadd.s32 $0xFFFFE0C0  }
0x84: {  	[tilespmem:s25], [sflag:$0x3] =	stream.indirect.gather [hbm4b:s1+s20], $0x40, s5, s20, $0xb8;
	[tilespmem:$0x1FC00] =	vst v63  }
0x85: {  	_ =	swait.ge [sflag:s12], $0x1F40  }
0x86: {  	[sflag:s12] =	ssyncset.done $0x0  }
0x87: {  	s17 =	simm.s32 $0x2B80;
	[sflag:s12] =	ssyncadd.s32 $0xFFFFE0C0  }
0x88: {  	[spmem:s3] =	stream.indirect.scatter.add.f32 [tilespmem:s22], [sflag:$0x10], $0x40, s17, s20, $0xb8;
	[tilespmem:$0x1FC00] =	vst v63  }
0x89: {  	_ =	swait.ge [sflag:s19], $0x1F40  }
0x8a: {  	[sflag:s19] =	ssyncset.done $0x0  }
0x8b: {  	s5 =	simm.s32 $0x580;
	[sflag:s19] =	ssyncadd.s32 $0xFFFFE0C0  }
0x8c: {  	[tilespmem:s28], [sflag:$0x4] =	stream.indirect.gather [hbm4b:s1+s20], $0x40, s5, s20, $0xb8;
	[tilespmem:$0x1FC00] =	vst v63  }
0x8d: {  	_ =	swait.ge [sflag:s29], $0x1F40  }
0x8e: {  	[sflag:s29] =	ssyncset.done $0x0  }
0x8f: {  	s17 =	simm.s32 $0x2C00;
	[sflag:s29] =	ssyncadd.s32 $0xFFFFE0C0  }
0x90: {  	[spmem:s3] =	stream.indirect.scatter.add.f32 [tilespmem:s21], [sflag:$0x9], $0x40, s17, s20, $0xb8;
	[tilespmem:$0x1FC00] =	vst v63  }
0x91: {  	_ =	swait.ge [sflag:s13], $0x1F40  }
0x92: {  	[sflag:s13] =	ssyncset.done $0x0  }
0x93: {  	s5 =	simm.s32 $0x600;
	[sflag:s13] =	ssyncadd.s32 $0xFFFFE0C0  }
0x94: {  	[tilespmem:s31], [sflag:$0x5] =	stream.indirect.gather [hbm4b:s1+s20], $0x40, s5, s20, $0xb8;
	[tilespmem:$0x1FC00] =	vst v63  }
0x95: {  	_ =	swait.ge [sflag:s2], $0x1F40  }
0x96: {  	[sflag:s2] =	ssyncset.done $0x0  }
0x97: {  	s17 =	simm.s32 $0x2C80;
	[sflag:s2] =	ssyncadd.s32 $0xFFFFE0C0  }
0x98: {  	[spmem:s3] =	stream.indirect.scatter.add.f32 [tilespmem:s23], [sflag:$0xA], $0x40, s17, s20, $0xb8;
	[tilespmem:$0x1FC00] =	vst v63  }
0x99: {  	_ =	swait.ge [sflag:s14], $0x1F40  }
0x9a: {  	[sflag:s14] =	ssyncset.done $0x0  }
0x9b: {  	s5 =	simm.s32 $0x680;
	[sflag:s14] =	ssyncadd.s32 $0xFFFFE0C0  }
0x9c: {  	[tilespmem:s26], [sflag:$0x6] =	stream.indirect.gather [hbm4b:s1+s20], $0x40, s5, s20, $0xb8;
	[tilespmem:$0x1FC00] =	vst v63  }
0x9d: {  	_ =	swait.ge [sflag:s30], $0x1F40  }
0x9e: {  	[sflag:s30] =	ssyncset.done $0x0  }
0x9f: {  	s17 =	simm.s32 $0x2D00;
	[sflag:s30] =	ssyncadd.s32 $0xFFFFE0C0  }
0xa0: {  	[spmem:s3] =	stream.indirect.scatter.add.f32 [tilespmem:s25], [sflag:$0xB], $0x40, s17, s20, $0xb8;
	[tilespmem:$0x1FC00] =	vst v63  }
0xa1: {  	_ =	swait.ge [sflag:s15], $0x1F40  }
0xa2: {  	[sflag:s15] =	ssyncset.done $0x0  }
0xa3: {  	s5 =	simm.s32 $0x700;
	[sflag:s15] =	ssyncadd.s32 $0xFFFFE0C0  }
0xa4: {  	[tilespmem:s24], [sflag:$0x7] =	stream.indirect.gather [hbm4b:s1+s20], $0x40, s5, s20, $0xb8;
	[tilespmem:$0x1FC00] =	vst v63  }
0xa5: {  	_ =	swait.ge [sflag:s0], $0x1F40  }
0xa6: {  	[sflag:s0] =	ssyncset.done $0x0  }
0xa7: {  	s17 =	simm.s32 $0x2D80;
	[sflag:s0] =	ssyncadd.s32 $0xFFFFE0C0  }
0xa8: {  	[spmem:s3] =	stream.indirect.scatter.add.f32 [tilespmem:s28], [sflag:$0xC], $0x40, s17, s20, $0xb8;
	[tilespmem:$0x1FC00] =	vst v63  }
0xa9: {  	_ =	swait.ge [sflag:s16], $0x1F40  }
0xaa: {  	[sflag:s16] =	ssyncset.done $0x0  }
0xab: {  	s5 =	simm.s32 $0x1000;
	s17 =	simm.s32 $0x780;
	[sflag:s16] =	ssyncadd.s32 $0xFFFFE0C0  }
.LBB2_4:
0xac: {  	[tilespmem:s22], [sflag:$0x8] =	stream.indirect.gather [hbm4b:s1+s20], $0x40, s17, s20, $0xb8;
	[tilespmem:$0x1FC00] =	vst v63  }
0xad: {  	s4 =	smov.u32 s5  }
0xae: {  	p0 =	sne.s32 s5, $0x8000;
	s5 =	sadd.s32 $0x1000, s5;
	_ =	swait.ge [sflag:s6], $0x1F40  }
0xaf: {  	s17 =	sshra.s32 s4, $0x2;
	[sflag:s6] =	ssyncset.done $0x0  }
0xb0: {  	s4 =	sadd.s32 $0x2A00, s17;
	[sflag:s6] =	ssyncadd.s32 $0xFFFFE0C0  }
0xb1: {  	[spmem:s3] =	stream.indirect.scatter.add.f32 [tilespmem:s31], [sflag:$0xD], $0x40, s4, s20, $0xb8;
	[tilespmem:$0x1FC00] =	vst v63  }
0xb2: {  	_ =	swait.ge [sflag:s7], $0x1F40  }
0xb3: {  	[sflag:s7] =	ssyncset.done $0x0  }
0xb4: {  	s4 =	sadd.s32 $0x400, s17;
	[sflag:s7] =	ssyncadd.s32 $0xFFFFE0C0  }
0xb5: {  	[tilespmem:s21], [sflag:$0x1] =	stream.indirect.gather [hbm4b:s1+s20], $0x40, s4, s20, $0xb8;
	[tilespmem:$0x1FC00] =	vst v63  }
0xb6: {  	_ =	swait.ge [sflag:s8], $0x1F40  }
0xb7: {  	[sflag:s8] =	ssyncset.done $0x0  }
0xb8: {  	s4 =	sadd.s32 $0x2A80, s17;
	[sflag:s8] =	ssyncadd.s32 $0xFFFFE0C0  }
0xb9: {  	[spmem:s3] =	stream.indirect.scatter.add.f32 [tilespmem:s26], [sflag:$0xE], $0x40, s4, s20, $0xb8;
	[tilespmem:$0x1FC00] =	vst v63  }
0xba: {  	_ =	swait.ge [sflag:s9], $0x1F40  }
0xbb: {  	[sflag:s9] =	ssyncset.done $0x0  }
0xbc: {  	s4 =	sadd.s32 $0x480, s17;
	[sflag:s9] =	ssyncadd.s32 $0xFFFFE0C0  }
0xbd: {  	[tilespmem:s23], [sflag:$0x2] =	stream.indirect.gather [hbm4b:s1+s20], $0x40, s4, s20, $0xb8;
	[tilespmem:$0x1FC00] =	vst v63  }
0xbe: {  	_ =	swait.ge [sflag:s10], $0x1F40  }
0xbf: {  	[sflag:s10] =	ssyncset.done $0x0  }
0xc0: {  	s4 =	sadd.s32 $0x2B00, s17;
	[sflag:s10] =	ssyncadd.s32 $0xFFFFE0C0  }
0xc1: {  	[spmem:s3] =	stream.indirect.scatter.add.f32 [tilespmem:s24], [sflag:$0xF], $0x40, s4, s20, $0xb8;
	[tilespmem:$0x1FC00] =	vst v63  }
0xc2: {  	_ =	swait.ge [sflag:s11], $0x1F40  }
0xc3: {  	[sflag:s11] =	ssyncset.done $0x0  }
0xc4: {  	s4 =	sadd.s32 $0x500, s17;
	[sflag:s11] =	ssyncadd.s32 $0xFFFFE0C0  }
0xc5: {  	[tilespmem:s25], [sflag:$0x3] =	stream.indirect.gather [hbm4b:s1+s20], $0x40, s4, s20, $0xb8;
	[tilespmem:$0x1FC00] =	vst v63  }
0xc6: {  	_ =	swait.ge [sflag:s12], $0x1F40  }
0xc7: {  	[sflag:s12] =	ssyncset.done $0x0  }
0xc8: {  	s4 =	sadd.s32 $0x2B80, s17;
	[sflag:s12] =	ssyncadd.s32 $0xFFFFE0C0  }
0xc9: {  	[spmem:s3] =	stream.indirect.scatter.add.f32 [tilespmem:s22], [sflag:$0x10], $0x40, s4, s20, $0xb8;
	[tilespmem:$0x1FC00] =	vst v63  }
0xca: {  	_ =	swait.ge [sflag:s19], $0x1F40  }
0xcb: {  	[sflag:s19] =	ssyncset.done $0x0  }
0xcc: {  	s4 =	sadd.s32 $0x580, s17;
	[sflag:s19] =	ssyncadd.s32 $0xFFFFE0C0  }
0xcd: {  	[tilespmem:s28], [sflag:$0x4] =	stream.indirect.gather [hbm4b:s1+s20], $0x40, s4, s20, $0xb8;
	[tilespmem:$0x1FC00] =	vst v63  }
0xce: {  	_ =	swait.ge [sflag:s29], $0x1F40  }
0xcf: {  	[sflag:s29] =	ssyncset.done $0x0  }
0xd0: {  	s4 =	sadd.s32 $0x2C00, s17;
	[sflag:s29] =	ssyncadd.s32 $0xFFFFE0C0  }
0xd1: {  	[spmem:s3] =	stream.indirect.scatter.add.f32 [tilespmem:s21], [sflag:$0x9], $0x40, s4, s20, $0xb8;
	[tilespmem:$0x1FC00] =	vst v63  }
0xd2: {  	_ =	swait.ge [sflag:s13], $0x1F40  }
0xd3: {  	[sflag:s13] =	ssyncset.done $0x0  }
0xd4: {  	s4 =	sadd.s32 $0x600, s17;
	[sflag:s13] =	ssyncadd.s32 $0xFFFFE0C0  }
0xd5: {  	[tilespmem:s31], [sflag:$0x5] =	stream.indirect.gather [hbm4b:s1+s20], $0x40, s4, s20, $0xb8;
	[tilespmem:$0x1FC00] =	vst v63  }
0xd6: {  	_ =	swait.ge [sflag:s2], $0x1F40  }
0xd7: {  	[sflag:s2] =	ssyncset.done $0x0  }
0xd8: {  	s4 =	sadd.s32 $0x2C80, s17;
	[sflag:s2] =	ssyncadd.s32 $0xFFFFE0C0  }
0xd9: {  	[spmem:s3] =	stream.indirect.scatter.add.f32 [tilespmem:s23], [sflag:$0xA], $0x40, s4, s20, $0xb8;
	[tilespmem:$0x1FC00] =	vst v63  }
0xda: {  	_ =	swait.ge [sflag:s14], $0x1F40  }
0xdb: {  	[sflag:s14] =	ssyncset.done $0x0  }
0xdc: {  	s4 =	sadd.s32 $0x680, s17;
	[sflag:s14] =	ssyncadd.s32 $0xFFFFE0C0  }
0xdd: {  	[tilespmem:s26], [sflag:$0x6] =	stream.indirect.gather [hbm4b:s1+s20], $0x40, s4, s20, $0xb8;
	[tilespmem:$0x1FC00] =	vst v63  }
0xde: {  	_ =	swait.ge [sflag:s30], $0x1F40  }
0xdf: {  	[sflag:s30] =	ssyncset.done $0x0  }
0xe0: {  	s4 =	sadd.s32 $0x2D00, s17;
	[sflag:s30] =	ssyncadd.s32 $0xFFFFE0C0  }
0xe1: {  	[spmem:s3] =	stream.indirect.scatter.add.f32 [tilespmem:s25], [sflag:$0xB], $0x40, s4, s20, $0xb8;
	[tilespmem:$0x1FC00] =	vst v63  }
0xe2: {  	_ =	swait.ge [sflag:s15], $0x1F40  }
0xe3: {  	[sflag:s15] =	ssyncset.done $0x0  }
0xe4: {  	s4 =	sadd.s32 $0x700, s17;
	[sflag:s15] =	ssyncadd.s32 $0xFFFFE0C0  }
0xe5: {  	[tilespmem:s24], [sflag:$0x7] =	stream.indirect.gather [hbm4b:s1+s20], $0x40, s4, s20, $0xb8;
	[tilespmem:$0x1FC00] =	vst v63  }
0xe6: {  	_ =	swait.ge [sflag:s0], $0x1F40  }
0xe7: {  	[sflag:s0] =	ssyncset.done $0x0  }
.Ltmp1:
0xe8: {  	s4 =	sadd.s32 $0x2D80, s17;
	[sflag:s0] =	ssyncadd.s32 $0xFFFFE0C0;
	(pc) =	sbr.rel @p0 .LBB2_4-.Ltmp1, $4  }
0xe9: {  	[spmem:s3] =	stream.indirect.scatter.add.f32 [tilespmem:s28], [sflag:$0xC], $0x40, s4, s20, $0xb8;
	[tilespmem:$0x1FC00] =	vst v63  }
0xea: {  	_ =	swait.ge [sflag:s16], $0x1F40  }
0xeb: {  	[sflag:s16] =	ssyncset.done $0x0  }
0xec: {  	s17 =	sadd.s32 $0x780, s17;
	[sflag:s16] =	ssyncadd.s32 $0xFFFFE0C0  }
0xed: {  	[tilespmem:s22], [sflag:$0x8] =	stream.indirect.gather [hbm4b:s1+s20], $0x40, s17, s20, $0xb8;
	[tilespmem:$0x1FC00] =	vst v63  }
0xee: {  	_ =	swait.ge [sflag:s6], $0x1F40  }
0xef: {  	[sflag:s6] =	ssyncset.done $0x0  }
0xf0: {  	s4 =	simm.s32 $0x4E00;
	[sflag:s6] =	ssyncadd.s32 $0xFFFFE0C0  }
0xf1: {  	[spmem:s3] =	stream.indirect.scatter.add.f32 [tilespmem:s31], [sflag:$0xD], $0x40, s4, s20, $0xb8;
	[tilespmem:$0x1FC00] =	vst v63  }
0xf2: {  	_ =	swait.ge [sflag:s7], $0x1F40  }
0xf3: {  	[sflag:s7] =	ssyncset.done $0x0  }
0xf4: {  	[sflag:s7] =	ssyncadd.s32 $0xFFFFE0C0  }
0xf5: {  	_ =	swait.ge [sflag:s8], $0x1F40  }
0xf6: {  	[sflag:s8] =	ssyncset.done $0x0  }
0xf7: {  	s5 =	simm.s32 $0x4E80;
	[sflag:s8] =	ssyncadd.s32 $0xFFFFE0C0  }
0xf8: {  	[spmem:s3] =	stream.indirect.scatter.add.f32 [tilespmem:s26], [sflag:$0xE], $0x40, s5, s20, $0xb8;
	[tilespmem:$0x1FC00] =	vst v63  }
0xf9: {  	_ =	swait.ge [sflag:s9], $0x1F40  }
0xfa: {  	[sflag:s9] =	ssyncset.done $0x0  }
0xfb: {  	[sflag:s9] =	ssyncadd.s32 $0xFFFFE0C0  }
0xfc: {  	_ =	swait.ge [sflag:s10], $0x1F40  }
0xfd: {  	[sflag:s10] =	ssyncset.done $0x0  }
0xfe: {  	s17 =	simm.s32 $0x4F00;
	[sflag:s10] =	ssyncadd.s32 $0xFFFFE0C0  }
0xff: {  	[spmem:s3] =	stream.indirect.scatter.add.f32 [tilespmem:s24], [sflag:$0xF], $0x40, s17, s20, $0xb8;
	[tilespmem:$0x1FC00] =	vst v63  }
0x100: {  	_ =	swait.ge [sflag:s11], $0x1F40  }
0x101: {  	[sflag:s11] =	ssyncset.done $0x0  }
0x102: {  	[sflag:s11] =	ssyncadd.s32 $0xFFFFE0C0  }
0x103: {  	_ =	swait.ge [sflag:s12], $0x1F40  }
0x104: {  	[sflag:s12] =	ssyncset.done $0x0  }
0x105: {  	s5 =	simm.s32 $0x4F80;
	[sflag:s12] =	ssyncadd.s32 $0xFFFFE0C0  }
0x106: {  	[spmem:s3] =	stream.indirect.scatter.add.f32 [tilespmem:s22], [sflag:$0x10], $0x40, s5, s20, $0xb8;
	[tilespmem:$0x1FC00] =	vst v63  }
0x107: {  	_ =	swait.ge [sflag:s19], $0x1F40  }
0x108: {  	[sflag:s19] =	ssyncset.done $0x0  }
0x109: {  	[sflag:s19] =	ssyncadd.s32 $0xFFFFE0C0  }
0x10a: {  	_ =	swait.ge [sflag:s13], $0x1F40  }
0x10b: {  	[sflag:s13] =	ssyncset.done $0x0  }
0x10c: {  	[sflag:s13] =	ssyncadd.s32 $0xFFFFE0C0  }
0x10d: {  	_ =	swait.ge [sflag:s14], $0x1F40  }
0x10e: {  	[sflag:s14] =	ssyncset.done $0x0  }
0x10f: {  	[sflag:s14] =	ssyncadd.s32 $0xFFFFE0C0  }
0x110: {  	_ =	swait.ge [sflag:s15], $0x1F40  }
0x111: {  	[sflag:s15] =	ssyncset.done $0x0  }
0x112: {  	[sflag:s15] =	ssyncadd.s32 $0xFFFFE0C0  }
0x113: {  	_ =	swait.ge [sflag:s16], $0x1F40  }
0x114: {  	[sflag:s16] =	ssyncset.done $0x0  }
0x115: {  	[sflag:s16] =	ssyncadd.s32 $0xFFFFE0C0  }
0x116: {  	s17 =	stileid.u32;
	[bflag:$0x0] =	sbarrier.arrive $0xFFFF  }
0x117: {  	s4 =	sshll.u32 s17, $0x6;
	s5 =	rddreg [dreg:$0x5]  }
0x118: {  	s4 =	sor.u32 $0x1C11, s4;
	s17 =	rddreg [dreg:$0xf];
	s5 =	sshrl.u32 s5, $0x3  }
0x119: {  	[hbm:s17], [sflag:s4] =	dma.local [spmem:s5], $0x13C0  }
0x11a: {  	_ =	swait.ge [sflag:s18], $0x13C0  }
0x11b: {  	s4 =	rddreg [dreg:$0x4]  }
0x11c: {  	s5 =	rddreg [dreg:$0x10];
	s17 =	sadd.s32 $0x1, s4  }
0x11d: {  	p0 =	sne.s32 s17, s5  }
.Ltmp2:
0x11e: {  	_ = 	snop;
	(pc) =	sbr.rel @p0 .LBB2_1-.Ltmp2, $3  }
0x11f: {  	_ =	sdelay $0x1  }
0x120: {  	[sflag:s18] =	ssyncset.done $0x0  }
0x121: {  	[sflag:s18] =	ssyncadd.s32 $0xFFFFEC40  }
0x122: {  	_ =	sfence.sel $0x180000  }
0x123: {  	[bflag:$0x0] =	sbarrier.arrive $0xFFFF  }
0x124: {  	_ =	strace $0x9000004A  }
0x125: {  	s0 =	stileid.u32;
	[bflag:$0x2] =	sbarrier.arrive $0xFFFF  }
0x126: {  	p0 =	sne.s32 s0, $0x0;
	s0 =	rddreg [dreg:$0x3]  }
0x127: {  	s0 =	sadd.s32 @!p0 $0x100000, s0  }
0x128: {  	[sflag:s0] =	ssyncadd.tile.s32 @!p0 $0x1;
	_ =	shalt  }
.Lfunc_end2:
_tile_overlayer_lowered:
.L_overlay_start_2:
0x129: {  	(tag) =	ssettag $0x2  }
0x12a: {  	s0 =	rddreg [dreg:$0x0];
	s2 =	stileid.u32  }
0x12b: {  	s1 =	rddreg [dreg:$0x1];
	p0 =	sne.s32 s2, $0x0  }
0x12c: {  	s3 =	rddreg [dreg:$0x2];
	[bflag:$0x3] =	sbarrier.arrive $0xFFFF;
	s2 =	simm.s32 @!p0 $0x1C11  }
0x12d: {  	[timem:s3], [sflag:s2] =	dma.local @!p0 [hbm:s0], s1  }
0x12e: {  	s0 =	simm.s32 @!p0 $0x11  }
0x12f: {  	_ =	swait.ge @!p0 [sflag:s0], s1  }
0x130: {  	s1 =	ssub.s32 @!p0 $0x0, s1;
	[sflag:s0] =	ssyncset.done @!p0 $0x0  }
0x131: {  	[sflag:s0] =	ssyncadd.s32 @!p0 s1  }
0x132: {  	[bflag:$0x3] =	sbarrier.arrive $0xFFFF  }
0x133: {  	_ =	shalt  }

</sc_bundles>
